<compile_context>
chip_gen: v7x
topology: tpu7x:2x2x1
jax: 0.10.2.dev20260603
libtpu: 0.0.44.dev20260713+nightly
codegen_flags: <defaults>
</compile_context>

<pallas_src>
import jax
import jax.numpy as jnp
from jax import lax
from jax.experimental import pallas as pl
from jax.experimental.pallas import tpu as pltpu
from jax.experimental.pallas import tpu_sc as plsc

N_EDGE = 3_200_000
N_ORB = 15
N_Z = 94
NC, NS, L = 2, 16, 16
NW = NC * NS
BLK = 3200
N_CHUNK = N_EDGE // BLK
N_ROUND = -(-N_CHUNK // NW)
N_GROUP = BLK // L

K_POW = (0.0, 1.0, 1.0, 2.0, 2.0, 2.0, 2.7, 2.7, 2.7, 2.7,
         3.0, 3.0, 3.0, 3.0, 3.0)

_LN2 = 0.6931471805599453


def _ln16(dv):
    bits = plsc.bitcast(dv, jnp.int32)
    ex = (bits >> 23) - 127
    m = plsc.bitcast((bits & 0x007FFFFF) | 0x3F800000, jnp.float32)
    big = m > 1.4142135
    m = jnp.where(big, m * 0.5, m)
    ef = jnp.where(big, ex + 1, ex).astype(jnp.float32)
    s = (m - 1.0) / (m + 1.0)
    s2 = s * s
    p = 2.0 / 9.0
    p = p * s2 + 2.0 / 7.0
    p = p * s2 + 2.0 / 5.0
    p = p * s2 + 2.0 / 3.0
    p = p * s2 + 2.0
    return ef * _LN2 + s * p


def _sc_body(d_hbm, z_hbm, e_hbm, c_hbm, out_hbm,
             d_v0, d_v1, z_v0, z_v1, e_v, c_v, out_v0, out_v1,
             dsem0, dsem1, zsem0, zsem1, osem0, osem1):
    wid = lax.axis_index("s") * NC + lax.axis_index("c")
    pltpu.sync_copy(e_hbm, e_v)
    pltpu.sync_copy(c_hbm, c_v)
    d_bufs, z_bufs, o_bufs = (d_v0, d_v1), (z_v0, z_v1), (out_v0, out_v1)
    d_sems, z_sems, o_sems = (dsem0, dsem1), (zsem0, zsem1), (osem0, osem1)

    def cbase(ci):
        return jnp.minimum(ci * NW + wid, N_CHUNK - 1) * BLK

    def start_in(ci, b):
        base = cbase(ci)
        pltpu.async_copy(d_hbm.at[pl.ds(base, BLK)], d_bufs[b], d_sems[b])
        pltpu.async_copy(z_hbm.at[pl.ds(base, BLK)], z_bufs[b], z_sems[b])

    def wait_in(b):
        pltpu.make_async_copy(d_hbm.at[pl.ds(0, BLK)], d_bufs[b], d_sems[b]).wait()
        pltpu.make_async_copy(z_hbm.at[pl.ds(0, BLK)], z_bufs[b], z_sems[b]).wait()

    def start_out(ci, b):
        pltpu.async_copy(o_bufs[b], out_hbm.at[:, pl.ds(cbase(ci), BLK)],
                         o_sems[b])

    def wait_out(b):
        pltpu.make_async_copy(o_bufs[b], out_hbm.at[:, pl.ds(0, BLK)],
                              o_sems[b]).wait()

    def group(i, d_v, z_v, out_v):
        off = i * L
        dv = d_v[pl.ds(off, L)]
        zv = z_v[pl.ds(off, L)]
        lnd = _ln16(dv)
        kl2 = {k: k * lnd if k != 1.0 else lnd
               for k in sorted(set(K_POW)) if k != 0.0}
        for w in range(0, N_ORB, 5):
            orbs = range(w, w + 5)
            idxs = [zv + (o * N_Z) for o in orbs]
            evs = [plsc.load_gather(e_v, [ix]) for ix in idxs]
            args = [
                kl2[K_POW[o]] - ev * dv if K_POW[o] != 0.0 else -(ev * dv)
                for o, ev in zip(orbs, evs)
            ]
            exps = [jnp.exp(a) for a in args]
            cvs = [plsc.load_gather(c_v, [ix]) for ix in idxs]
            for o, cv, ex in zip(orbs, cvs, exps):
                out_v[o, pl.ds(off, L)] = cv * ex

    start_in(0, 0)

    def round2(j, _):
        for b in (0, 1):
            ci = j * 2 + b
            wait_in(b)
            start_in(ci + 1, 1 - b)

            @pl.when(ci >= 2)
            def _():
                wait_out(b)

            @plsc.parallel_loop(0, N_GROUP, 1, unroll=2)
            def _(i):
                group(i, d_bufs[b], z_bufs[b], o_bufs[b])
            start_out(ci, b)
        return 0

    lax.fori_loop(0, N_ROUND // 2, round2, 0)
    wait_in(0)
    wait_out(0)
    wait_out(1)


@jax.jit
def kernel(d, z_j, exponent, norm):
    mesh = plsc.VectorSubcoreMesh(core_axis_name="c", subcore_axis_name="s")
    run = pl.kernel(
        _sc_body,
        out_type=jax.ShapeDtypeStruct((N_ORB, N_EDGE), jnp.float32),
        mesh=mesh,
        compiler_params=pltpu.CompilerParams(needs_layout_passes=False),
        scratch_types=[
            pltpu.VMEM((BLK,), jnp.float32),
            pltpu.VMEM((BLK,), jnp.float32),
            pltpu.VMEM((BLK,), jnp.int32),
            pltpu.VMEM((BLK,), jnp.int32),
            pltpu.VMEM((N_ORB * N_Z,), jnp.float32),
            pltpu.VMEM((N_ORB * N_Z,), jnp.float32),
            pltpu.VMEM((N_ORB, BLK), jnp.float32),
            pltpu.VMEM((N_ORB, BLK), jnp.float32),
            pltpu.SemaphoreType.DMA,
            pltpu.SemaphoreType.DMA,
            pltpu.SemaphoreType.DMA,
            pltpu.SemaphoreType.DMA,
            pltpu.SemaphoreType.DMA,
            pltpu.SemaphoreType.DMA,
        ],
    )
    return run(d, z_j, exponent.reshape(-1), norm.reshape(-1)).T

# --- scband reference (transcript-rebuilt; emitter-appended) ---
"""Pipeline reference for scband-slater-orbital-basis-46299747451170 (READ-ONLY COPY).

The authoritative reference and input builder live on the scoring server;
editing this copy changes nothing except your own understanding.
"""

import jax, jax.numpy as jnp
import numpy as np

N_EDGE = 3200000
MAX_Z = 93
N_ORB = 15
# (n, l) list capped at limit_n_orb=15: n=1..5, l=0..n-1
# n_map effective principal quantum numbers: {1:1.0, 2:2.0, 3:3.0, 4:3.7, 5:4.0}
N_EFF = jnp.array([1.0, 2.0, 2.0, 3.0, 3.0, 3.0, 3.7, 3.7, 3.7, 3.7, 4.0, 4.0, 4.0, 4.0, 4.0], dtype=jnp.float32)


def setup_inputs(seed: int = 0) -> dict:
    key = jax.random.key(seed)
    k1, k2, k3, k4 = jax.random.split(key, 4)
    # interatomic distances in (0.1, 5.0] to match cutoff=5.0 and avoid d=0 singularities
    d = jax.random.uniform(k1, (N_EDGE,), dtype=jnp.float32) * 4.9 + 0.1
    # atomic numbers of neighbor atoms, 0..93 (tables are sized max_z+1)
    z_j = jax.random.randint(k2, (N_EDGE,), 0, MAX_Z + 1, dtype=jnp.int32)
    # learned/precomputed per-(n,l), per-element tables (ParameterDict exponent + normalize_coeff)
    exponent = 0.5 + 2.5 * jax.random.uniform(k3, (N_ORB, MAX_Z + 1), dtype=jnp.float32)
    norm = 0.1 + jax.random.uniform(k4, (N_ORB, MAX_Z + 1), dtype=jnp.float32)
    return {"d": d, "z_j": z_j, "exponent": exponent, "norm": norm}


def reference(d, z_j, exponent, norm):
    # per-orbital gather of element-dependent coefficients: [N_ORB, N_EDGE]
    e = jnp.take(exponent, z_j, axis=1)
    c = jnp.take(norm, z_j, axis=1)
    # r_nl(d, z_j) = norm[z_j] * d^(n_eff-1) * exp(-exponent[z_j] * d)
    rbf = c * jnp.power(d[None, :], (N_EFF - 1.0)[:, None]) * jnp.exp(-e * d[None, :])
    # torch.stack([...], dim=1) -> (n_edge, n_orb)
    return rbf.T

if __name__ == "__main__":
    import jax
    _d = setup_inputs()
    print(jax.jit(kernel)(*tuple(_d.values())))

</pallas_src>

<mosaic_0001>
#map = affine_map<(d0, d1) -> (0)>
#map1 = affine_map<(d0, d1) -> (0, 0)>
module attributes {stable_mosaic.version = 14 : i64} {
  func.func @_sc_body(%arg0: i32, %arg1: i32, %arg2: memref<3200000xf32, #tpu.memory_space<hbm>>, %arg3: memref<3200000xi32, #tpu.memory_space<hbm>>, %arg4: memref<1410xf32, #tpu.memory_space<hbm>>, %arg5: memref<1410xf32, #tpu.memory_space<hbm>>, %arg6: memref<15x3200000xf32, #tpu.memory_space<hbm>>, %arg7: memref<3200xf32, #tpu.memory_space<vmem>>, %arg8: memref<3200xf32, #tpu.memory_space<vmem>>, %arg9: memref<3200xi32, #tpu.memory_space<vmem>>, %arg10: memref<3200xi32, #tpu.memory_space<vmem>>, %arg11: memref<1410xf32, #tpu.memory_space<vmem>>, %arg12: memref<1410xf32, #tpu.memory_space<vmem>>, %arg13: memref<15x3200xf32, #tpu.memory_space<vmem>>, %arg14: memref<15x3200xf32, #tpu.memory_space<vmem>>, %arg15: memref<!tpu.dma_semaphore, #tpu.memory_space<semaphore_mem>>, %arg16: memref<!tpu.dma_semaphore, #tpu.memory_space<semaphore_mem>>, %arg17: memref<!tpu.dma_semaphore, #tpu.memory_space<semaphore_mem>>, %arg18: memref<!tpu.dma_semaphore, #tpu.memory_space<semaphore_mem>>, %arg19: memref<!tpu.dma_semaphore, #tpu.memory_space<semaphore_mem>>, %arg20: memref<!tpu.dma_semaphore, #tpu.memory_space<semaphore_mem>>) attributes {dimension_semantics = [#tpu.dimension_semantics<core_parallel>, #tpu.dimension_semantics<subcore_parallel>], iteration_bounds = array<i64: 2, 16>, scalar_prefetch = 0 : i64, scratch_operands = 14 : i64, tpu.core_type = #tpu.core_type<sc_vector_subcore>, window_params = [{transform_indices = #map}, {transform_indices = #map}, {transform_indices = #map}, {transform_indices = #map}, {transform_indices = #map1}]} {
    %mul3A = arith.constant 2 : i32
    %mul3A_0 = arith.muli %arg1, %mul3A : i32
    %add3A = arith.addi %mul3A_0, %arg0 : i32
    "tpu.region"() ({
      %run_scoped3A = tpu.sem_alloc : memref<!tpu.dma_semaphore, #tpu.memory_space<semaphore_mem>>
      tpu.enqueue_dma source(%arg4 : memref<1410xf32, #tpu.memory_space<hbm>>) target(%arg11 : memref<1410xf32, #tpu.memory_space<vmem>>) target_semaphore(%run_scoped3A : memref<!tpu.dma_semaphore, #tpu.memory_space<semaphore_mem>>)
      tpu.wait_dma2 semaphore(%run_scoped3A : memref<!tpu.dma_semaphore, #tpu.memory_space<semaphore_mem>>) src(%arg4 : memref<1410xf32, #tpu.memory_space<hbm>>) dst(%arg11 : memref<1410xf32, #tpu.memory_space<vmem>>)
      tpu.yield
    }) : () -> ()
    "tpu.region"() ({
      %run_scoped3A = tpu.sem_alloc : memref<!tpu.dma_semaphore, #tpu.memory_space<semaphore_mem>>
      tpu.enqueue_dma source(%arg5 : memref<1410xf32, #tpu.memory_space<hbm>>) target(%arg12 : memref<1410xf32, #tpu.memory_space<vmem>>) target_semaphore(%run_scoped3A : memref<!tpu.dma_semaphore, #tpu.memory_space<semaphore_mem>>)
      tpu.wait_dma2 semaphore(%run_scoped3A : memref<!tpu.dma_semaphore, #tpu.memory_space<semaphore_mem>>) src(%arg5 : memref<1410xf32, #tpu.memory_space<hbm>>) dst(%arg12 : memref<1410xf32, #tpu.memory_space<vmem>>)
      tpu.yield
    }) : () -> ()
    %add3A_1 = arith.constant 0 : i32
    %add3A_2 = arith.addi %add3A_1, %add3A : i32
    %min3A = arith.constant 999 : i32
    %min3A_3 = arith.minsi %add3A_2, %min3A : i32
    %mul3A_4 = arith.constant 3200 : i32
    %mul3A_5 = arith.muli %min3A_3, %mul3A_4 : i32
    %dma_start3A = tpu.memref_slice %arg2[%mul3A_5] : memref<3200000xf32, #tpu.memory_space<hbm>> -> memref<3200xf32, #tpu.memory_space<hbm>>
    %dma_start3A_6 = tpu.memref_slice %arg2[%mul3A_5] : memref<3200000xf32, #tpu.memory_space<hbm>> -> memref<3200xf32, #tpu.memory_space<hbm>>
    tpu.enqueue_dma source(%dma_start3A_6 : memref<3200xf32, #tpu.memory_space<hbm>>) target(%arg7 : memref<3200xf32, #tpu.memory_space<vmem>>) target_semaphore(%arg15 : memref<!tpu.dma_semaphore, #tpu.memory_space<semaphore_mem>>)
    %dma_start3A_7 = tpu.memref_slice %arg3[%mul3A_5] : memref<3200000xi32, #tpu.memory_space<hbm>> -> memref<3200xi32, #tpu.memory_space<hbm>>
    %dma_start3A_8 = tpu.memref_slice %arg3[%mul3A_5] : memref<3200000xi32, #tpu.memory_space<hbm>> -> memref<3200xi32, #tpu.memory_space<hbm>>
    tpu.enqueue_dma source(%dma_start3A_8 : memref<3200xi32, #tpu.memory_space<hbm>>) target(%arg9 : memref<3200xi32, #tpu.memory_space<vmem>>) target_semaphore(%arg17 : memref<!tpu.dma_semaphore, #tpu.memory_space<semaphore_mem>>)
    %scan3A = arith.constant 0 : i32
    %scan3A_9 = arith.constant 0 : i32
    %scan3A_10 = arith.constant 16 : i32
    %scan3A_11 = arith.addi %scan3A_9, %scan3A_10 : i32
    %scan3A_12 = arith.constant 1 : i32
    %scan3A_13 = scf.for %scan3A_34 = %scan3A_9 to %scan3A_11 step %scan3A_12 iter_args(%scan3A_35 = %scan3A) -> (i32)  : i32 {
      %mul3A_36 = arith.constant 2 : i32
      %mul3A_37 = arith.muli %scan3A_34, %mul3A_36 : i32
      %add3A_38 = arith.constant 0 : i32
      %add3A_39 = arith.addi %mul3A_37, %add3A_38 : i32
      %dma_wait3A_40 = arith.constant 0 : i32
      %dma_wait3A_41 = tpu.memref_slice %arg2[%dma_wait3A_40] : memref<3200000xf32, #tpu.memory_space<hbm>> -> memref<3200xf32, #tpu.memory_space<hbm>>
      %dma_wait3A_42 = arith.constant 0 : i32
      %dma_wait3A_43 = tpu.memref_slice %arg2[%dma_wait3A_42] : memref<3200000xf32, #tpu.memory_space<hbm>> -> memref<3200xf32, #tpu.memory_space<hbm>>
      tpu.wait_dma2 semaphore(%arg15 : memref<!tpu.dma_semaphore, #tpu.memory_space<semaphore_mem>>) src(%dma_wait3A_43 : memref<3200xf32, #tpu.memory_space<hbm>>) dst(%arg7 : memref<3200xf32, #tpu.memory_space<vmem>>)
      %dma_wait3A_44 = arith.constant 0 : i32
      %dma_wait3A_45 = tpu.memref_slice %arg3[%dma_wait3A_44] : memref<3200000xi32, #tpu.memory_space<hbm>> -> memref<3200xi32, #tpu.memory_space<hbm>>
      %dma_wait3A_46 = arith.constant 0 : i32
      %dma_wait3A_47 = tpu.memref_slice %arg3[%dma_wait3A_46] : memref<3200000xi32, #tpu.memory_space<hbm>> -> memref<3200xi32, #tpu.memory_space<hbm>>
      tpu.wait_dma2 semaphore(%arg17 : memref<!tpu.dma_semaphore, #tpu.memory_space<semaphore_mem>>) src(%dma_wait3A_47 : memref<3200xi32, #tpu.memory_space<hbm>>) dst(%arg9 : memref<3200xi32, #tpu.memory_space<vmem>>)
      %add3A_48 = arith.constant 1 : i32
      %add3A_49 = arith.addi %add3A_39, %add3A_48 : i32
      %mul3A_50 = arith.constant 32 : i32
      %mul3A_51 = arith.muli %add3A_49, %mul3A_50 : i32
      %add3A_52 = arith.addi %mul3A_51, %add3A : i32
      %min3A_53 = arith.constant 999 : i32
      %min3A_54 = arith.minsi %add3A_52, %min3A_53 : i32
      %mul3A_55 = arith.constant 3200 : i32
      %mul3A_56 = arith.muli %min3A_54, %mul3A_55 : i32
      %dma_start3A_57 = tpu.memref_slice %arg2[%mul3A_56] : memref<3200000xf32, #tpu.memory_space<hbm>> -> memref<3200xf32, #tpu.memory_space<hbm>>
      %dma_start3A_58 = tpu.memref_slice %arg2[%mul3A_56] : memref<3200000xf32, #tpu.memory_space<hbm>> -> memref<3200xf32, #tpu.memory_space<hbm>>
      tpu.enqueue_dma source(%dma_start3A_58 : memref<3200xf32, #tpu.memory_space<hbm>>) target(%arg8 : memref<3200xf32, #tpu.memory_space<vmem>>) target_semaphore(%arg16 : memref<!tpu.dma_semaphore, #tpu.memory_space<semaphore_mem>>)
      %dma_start3A_59 = tpu.memref_slice %arg3[%mul3A_56] : memref<3200000xi32, #tpu.memory_space<hbm>> -> memref<3200xi32, #tpu.memory_space<hbm>>
      %dma_start3A_60 = tpu.memref_slice %arg3[%mul3A_56] : memref<3200000xi32, #tpu.memory_space<hbm>> -> memref<3200xi32, #tpu.memory_space<hbm>>
      tpu.enqueue_dma source(%dma_start3A_60 : memref<3200xi32, #tpu.memory_space<hbm>>) target(%arg10 : memref<3200xi32, #tpu.memory_space<vmem>>) target_semaphore(%arg18 : memref<!tpu.dma_semaphore, #tpu.memory_space<semaphore_mem>>)
      %ge3A = arith.constant 2 : i32
      %ge3A_61 = arith.cmpi sge, %add3A_39, %ge3A : i32
      %convert_element_type3A = arith.extui %ge3A_61 : i1 to i32
      %cond3A = arith.constant 0 : i32
      %cond3A_62 = arith.cmpi ne, %convert_element_type3A, %cond3A : i32
      scf.if %cond3A_62 {
        %dma_wait3A_121 = arith.constant 0 : i32
        %dma_wait3A_122 = arith.constant 0 : i32
        %dma_wait3A_123 = tpu.memref_slice %arg6[%dma_wait3A_121, %dma_wait3A_122] : memref<15x3200000xf32, #tpu.memory_space<hbm>> -> memref<15x3200xf32, #tpu.memory_space<hbm>>
        %dma_wait3A_124 = arith.constant 0 : i32
        %dma_wait3A_125 = arith.constant 0 : i32
        %dma_wait3A_126 = tpu.memref_slice %arg6[%dma_wait3A_124, %dma_wait3A_125] : memref<15x3200000xf32, #tpu.memory_space<hbm>> -> memref<15x3200xf32, #tpu.memory_space<hbm>>
        tpu.wait_dma2 semaphore(%arg19 : memref<!tpu.dma_semaphore, #tpu.memory_space<semaphore_mem>>) src(%arg13 : memref<15x3200xf32, #tpu.memory_space<vmem>>) dst(%dma_wait3A_126 : memref<15x3200xf32, #tpu.memory_space<hbm>>)
      } else {
      }
      %parallel_loop3A = arith.constant 0 : i32
      %parallel_loop3A_63 = arith.constant 200 : i32
      %parallel_loop3A_64 = arith.constant 1 : i32
      scf.for %parallel_loop3A_121 = %parallel_loop3A to %parallel_loop3A_63 step %parallel_loop3A_64  : i32 {
        %parallel_loop3A_122 = arith.constant 16 : i32
        %parallel_loop3A_123 = arith.muli %parallel_loop3A_121, %parallel_loop3A_122 : i32
        %parallel_loop3A_124 = arith.index_cast %parallel_loop3A_123 : i32 to index
        %parallel_loop3A_125 = tpu.vector_load %arg7[%parallel_loop3A_124] {strides = array<i32>} : memref<3200xf32, #tpu.memory_space<vmem>>, vector<16xf32>,
        %parallel_loop3A_126 = arith.index_cast %parallel_loop3A_123 : i32 to index
        %parallel_loop3A_127 = tpu.vector_load %arg9[%parallel_loop3A_126] {strides = array<i32>} : memref<3200xi32, #tpu.memory_space<vmem>>, vector<16xi32>,
        %parallel_loop3A_128 = vector.bitcast %parallel_loop3A_125 : vector<16xf32> to vector<16xi32>
        %parallel_loop3A_129 = arith.constant 23 : i32
        %parallel_loop3A_130 = vector.broadcast %parallel_loop3A_129 : i32 to vector<16xi32>
        %parallel_loop3A_131 = arith.shrsi %parallel_loop3A_128, %parallel_loop3A_130 : vector<16xi32>
        %parallel_loop3A_132 = arith.constant 127 : i32
        %parallel_loop3A_133 = vector.broadcast %parallel_loop3A_132 : i32 to vector<16xi32>
        %parallel_loop3A_134 = arith.subi %parallel_loop3A_131, %parallel_loop3A_133 : vector<16xi32>
        %parallel_loop3A_135 = arith.constant 8388607 : i32
        %parallel_loop3A_136 = vector.broadcast %parallel_loop3A_135 : i32 to vector<16xi32>
        %parallel_loop3A_137 = arith.andi %parallel_loop3A_128, %parallel_loop3A_136 : vector<16xi32>
        %parallel_loop3A_138 = arith.constant 1065353216 : i32
        %parallel_loop3A_139 = vector.broadcast %parallel_loop3A_138 : i32 to vector<16xi32>
        %parallel_loop3A_140 = arith.ori %parallel_loop3A_137, %parallel_loop3A_139 : vector<16xi32>
        %parallel_loop3A_141 = vector.bitcast %parallel_loop3A_140 : vector<16xi32> to vector<16xf32>
        %parallel_loop3A_142 = arith.constant 1.41421354 : f32
        %parallel_loop3A_143 = vector.broadcast %parallel_loop3A_142 : f32 to vector<16xf32>
        %parallel_loop3A_144 = arith.cmpf ogt, %parallel_loop3A_141, %parallel_loop3A_143 : vector<16xf32>
        %parallel_loop3A_145 = arith.constant 5.000000e-01 : f32
        %parallel_loop3A_146 = vector.broadcast %parallel_loop3A_145 : f32 to vector<16xf32>
        %parallel_loop3A_147 = arith.mulf %parallel_loop3A_141, %parallel_loop3A_146 : vector<16xf32>
        %parallel_loop3A_148 = arith.select %parallel_loop3A_144, %parallel_loop3A_147, %parallel_loop3A_141 : vector<16xi1>, vector<16xf32>
        %parallel_loop3A_149 = arith.constant 1 : i32
        %parallel_loop3A_150 = vector.broadcast %parallel_loop3A_149 : i32 to vector<16xi32>
        %parallel_loop3A_151 = arith.addi %parallel_loop3A_134, %parallel_loop3A_150 : vector<16xi32>
        %parallel_loop3A_152 = arith.select %parallel_loop3A_144, %parallel_loop3A_151, %parallel_loop3A_134 : vector<16xi1>, vector<16xi32>
        %parallel_loop3A_153 = arith.sitofp %parallel_loop3A_152 : vector<16xi32> to vector<16xf32>
        %parallel_loop3A_154 = arith.constant 1.000000e+00 : f32
        %parallel_loop3A_155 = vector.broadcast %parallel_loop3A_154 : f32 to vector<16xf32>
        %parallel_loop3A_156 = arith.subf %parallel_loop3A_148, %parallel_loop3A_155 : vector<16xf32>
        %parallel_loop3A_157 = arith.constant 1.000000e+00 : f32
        %parallel_loop3A_158 = vector.broadcast %parallel_loop3A_157 : f32 to vector<16xf32>
        %parallel_loop3A_159 = arith.addf %parallel_loop3A_148, %parallel_loop3A_158 : vector<16xf32>
        %parallel_loop3A_160 = arith.divf %parallel_loop3A_156, %parallel_loop3A_159 : vector<16xf32>
        %parallel_loop3A_161 = arith.mulf %parallel_loop3A_160, %parallel_loop3A_160 : vector<16xf32>
        %parallel_loop3A_162 = arith.constant 0.222222224 : f32
        %parallel_loop3A_163 = vector.broadcast %parallel_loop3A_162 : f32 to vector<16xf32>
        %parallel_loop3A_164 = arith.mulf %parallel_loop3A_163, %parallel_loop3A_161 : vector<16xf32>
        %parallel_loop3A_165 = arith.constant 0.285714298 : f32
        %parallel_loop3A_166 = vector.broadcast %parallel_loop3A_165 : f32 to vector<16xf32>
        %parallel_loop3A_167 = arith.addf %parallel_loop3A_164, %parallel_loop3A_166 : vector<16xf32>
        %parallel_loop3A_168 = arith.mulf %parallel_loop3A_167, %parallel_loop3A_161 : vector<16xf32>
        %parallel_loop3A_169 = arith.constant 4.000000e-01 : f32
        %parallel_loop3A_170 = vector.broadcast %parallel_loop3A_169 : f32 to vector<16xf32>
        %parallel_loop3A_171 = arith.addf %parallel_loop3A_168, %parallel_loop3A_170 : vector<16xf32>
        %parallel_loop3A_172 = arith.mulf %parallel_loop3A_171, %parallel_loop3A_161 : vector<16xf32>
        %parallel_loop3A_173 = arith.constant 0.666666686 : f32
        %parallel_loop3A_174 = vector.broadcast %parallel_loop3A_173 : f32 to vector<16xf32>
        %parallel_loop3A_175 = arith.addf %parallel_loop3A_172, %parallel_loop3A_174 : vector<16xf32>
        %parallel_loop3A_176 = arith.mulf %parallel_loop3A_175, %parallel_loop3A_161 : vector<16xf32>
        %parallel_loop3A_177 = arith.constant 2.000000e+00 : f32
        %parallel_loop3A_178 = vector.broadcast %parallel_loop3A_177 : f32 to vector<16xf32>
        %parallel_loop3A_179 = arith.addf %parallel_loop3A_176, %parallel_loop3A_178 : vector<16xf32>
        %parallel_loop3A_180 = arith.constant 0.693147182 : f32
        %parallel_loop3A_181 = vector.broadcast %parallel_loop3A_180 : f32 to vector<16xf32>
        %parallel_loop3A_182 = arith.mulf %parallel_loop3A_153, %parallel_loop3A_181 : vector<16xf32>
        %parallel_loop3A_183 = arith.mulf %parallel_loop3A_160, %parallel_loop3A_179 : vector<16xf32>
        %parallel_loop3A_184 = arith.addf %parallel_loop3A_182, %parallel_loop3A_183 : vector<16xf32>
        %parallel_loop3A_185 = arith.constant 2.000000e+00 : f32
        %parallel_loop3A_186 = vector.broadcast %parallel_loop3A_185 : f32 to vector<16xf32>
        %parallel_loop3A_187 = arith.mulf %parallel_loop3A_186, %parallel_loop3A_184 : vector<16xf32>
        %parallel_loop3A_188 = arith.constant 2.700000e+00 : f32
        %parallel_loop3A_189 = vector.broadcast %parallel_loop3A_188 : f32 to vector<16xf32>
        %parallel_loop3A_190 = arith.mulf %parallel_loop3A_189, %parallel_loop3A_184 : vector<16xf32>
        %parallel_loop3A_191 = arith.constant 3.000000e+00 : f32
        %parallel_loop3A_192 = vector.broadcast %parallel_loop3A_191 : f32 to vector<16xf32>
        %parallel_loop3A_193 = arith.mulf %parallel_loop3A_192, %parallel_loop3A_184 : vector<16xf32>
        %parallel_loop3A_194 = arith.constant 0 : i32
        %parallel_loop3A_195 = vector.broadcast %parallel_loop3A_194 : i32 to vector<16xi32>
        %parallel_loop3A_196 = arith.addi %parallel_loop3A_127, %parallel_loop3A_195 : vector<16xi32>
        %parallel_loop3A_197 = arith.constant 94 : i32
        %parallel_loop3A_198 = vector.broadcast %parallel_loop3A_197 : i32 to vector<16xi32>
        %parallel_loop3A_199 = arith.addi %parallel_loop3A_127, %parallel_loop3A_198 : vector<16xi32>
        %parallel_loop3A_200 = arith.constant 188 : i32
        %parallel_loop3A_201 = vector.broadcast %parallel_loop3A_200 : i32 to vector<16xi32>
        %parallel_loop3A_202 = arith.addi %parallel_loop3A_127, %parallel_loop3A_201 : vector<16xi32>
        %parallel_loop3A_203 = arith.constant 282 : i32
        %parallel_loop3A_204 = vector.broadcast %parallel_loop3A_203 : i32 to vector<16xi32>
        %parallel_loop3A_205 = arith.addi %parallel_loop3A_127, %parallel_loop3A_204 : vector<16xi32>
        %parallel_loop3A_206 = arith.constant 376 : i32
        %parallel_loop3A_207 = vector.broadcast %parallel_loop3A_206 : i32 to vector<16xi32>
        %parallel_loop3A_208 = arith.addi %parallel_loop3A_127, %parallel_loop3A_207 : vector<16xi32>
        %parallel_loop3A_209 = tpu.vector_load_idx %arg11[%parallel_loop3A_196] : memref<1410xf32, #tpu.memory_space<vmem>>[vector<16xi32>], vector<16xf32>,
        %parallel_loop3A_210 = tpu.vector_load_idx %arg11[%parallel_loop3A_199] : memref<1410xf32, #tpu.memory_space<vmem>>[vector<16xi32>], vector<16xf32>,
        %parallel_loop3A_211 = tpu.vector_load_idx %arg11[%parallel_loop3A_202] : memref<1410xf32, #tpu.memory_space<vmem>>[vector<16xi32>], vector<16xf32>,
        %parallel_loop3A_212 = tpu.vector_load_idx %arg11[%parallel_loop3A_205] : memref<1410xf32, #tpu.memory_space<vmem>>[vector<16xi32>], vector<16xf32>,
        %parallel_loop3A_213 = tpu.vector_load_idx %arg11[%parallel_loop3A_208] : memref<1410xf32, #tpu.memory_space<vmem>>[vector<16xi32>], vector<16xf32>,
        %parallel_loop3A_214 = arith.mulf %parallel_loop3A_209, %parallel_loop3A_125 : vector<16xf32>
        %parallel_loop3A_215 = arith.constant 0.000000e+00 : f32
        %parallel_loop3A_216 = vector.broadcast %parallel_loop3A_215 : f32 to vector<16xf32>
        %parallel_loop3A_217 = arith.subf %parallel_loop3A_216, %parallel_loop3A_214 : vector<16xf32>
        %parallel_loop3A_218 = arith.mulf %parallel_loop3A_210, %parallel_loop3A_125 : vector<16xf32>
        %parallel_loop3A_219 = arith.subf %parallel_loop3A_184, %parallel_loop3A_218 : vector<16xf32>
        %parallel_loop3A_220 = arith.mulf %parallel_loop3A_211, %parallel_loop3A_125 : vector<16xf32>
        %parallel_loop3A_221 = arith.subf %parallel_loop3A_184, %parallel_loop3A_220 : vector<16xf32>
        %parallel_loop3A_222 = arith.mulf %parallel_loop3A_212, %parallel_loop3A_125 : vector<16xf32>
        %parallel_loop3A_223 = arith.subf %parallel_loop3A_187, %parallel_loop3A_222 : vector<16xf32>
        %parallel_loop3A_224 = arith.mulf %parallel_loop3A_213, %parallel_loop3A_125 : vector<16xf32>
        %parallel_loop3A_225 = arith.subf %parallel_loop3A_187, %parallel_loop3A_224 : vector<16xf32>
        %parallel_loop3A_226 = math.exp %parallel_loop3A_217 : vector<16xf32>
        %parallel_loop3A_227 = math.exp %parallel_loop3A_219 : vector<16xf32>
        %parallel_loop3A_228 = math.exp %parallel_loop3A_221 : vector<16xf32>
        %parallel_loop3A_229 = math.exp %parallel_loop3A_223 : vector<16xf32>
        %parallel_loop3A_230 = math.exp %parallel_loop3A_225 : vector<16xf32>
        %parallel_loop3A_231 = tpu.vector_load_idx %arg12[%parallel_loop3A_196] : memref<1410xf32, #tpu.memory_space<vmem>>[vector<16xi32>], vector<16xf32>,
        %parallel_loop3A_232 = tpu.vector_load_idx %arg12[%parallel_loop3A_199] : memref<1410xf32, #tpu.memory_space<vmem>>[vector<16xi32>], vector<16xf32>,
        %parallel_loop3A_233 = tpu.vector_load_idx %arg12[%parallel_loop3A_202] : memref<1410xf32, #tpu.memory_space<vmem>>[vector<16xi32>], vector<16xf32>,
        %parallel_loop3A_234 = tpu.vector_load_idx %arg12[%parallel_loop3A_205] : memref<1410xf32, #tpu.memory_space<vmem>>[vector<16xi32>], vector<16xf32>,
        %parallel_loop3A_235 = tpu.vector_load_idx %arg12[%parallel_loop3A_208] : memref<1410xf32, #tpu.memory_space<vmem>>[vector<16xi32>], vector<16xf32>,
        %parallel_loop3A_236 = arith.mulf %parallel_loop3A_231, %parallel_loop3A_226 : vector<16xf32>
        %parallel_loop3A_237 = arith.constant 0 : i32
        %parallel_loop3A_238 = arith.index_cast %parallel_loop3A_237 : i32 to index
        %parallel_loop3A_239 = arith.index_cast %parallel_loop3A_123 : i32 to index
        %parallel_loop3A_240 = tpu.vector_load %arg13[%parallel_loop3A_238, %parallel_loop3A_239] {strides = array<i32>} : memref<15x3200xf32, #tpu.memory_space<vmem>>, vector<16xf32>,
        tpu.vector_store %arg13[%parallel_loop3A_238, %parallel_loop3A_239], %parallel_loop3A_236 {strides = array<i32>} : memref<15x3200xf32, #tpu.memory_space<vmem>>, vector<16xf32>,
        %parallel_loop3A_241 = arith.mulf %parallel_loop3A_232, %parallel_loop3A_227 : vector<16xf32>
        %parallel_loop3A_242 = arith.constant 1 : i32
        %parallel_loop3A_243 = arith.index_cast %parallel_loop3A_242 : i32 to index
        %parallel_loop3A_244 = arith.index_cast %parallel_loop3A_123 : i32 to index
        %parallel_loop3A_245 = tpu.vector_load %arg13[%parallel_loop3A_243, %parallel_loop3A_244] {strides = array<i32>} : memref<15x3200xf32, #tpu.memory_space<vmem>>, vector<16xf32>,
        tpu.vector_store %arg13[%parallel_loop3A_243, %parallel_loop3A_244], %parallel_loop3A_241 {strides = array<i32>} : memref<15x3200xf32, #tpu.memory_space<vmem>>, vector<16xf32>,
        %parallel_loop3A_246 = arith.mulf %parallel_loop3A_233, %parallel_loop3A_228 : vector<16xf32>
        %parallel_loop3A_247 = arith.constant 2 : i32
        %parallel_loop3A_248 = arith.index_cast %parallel_loop3A_247 : i32 to index
        %parallel_loop3A_249 = arith.index_cast %parallel_loop3A_123 : i32 to index
        %parallel_loop3A_250 = tpu.vector_load %arg13[%parallel_loop3A_248, %parallel_loop3A_249] {strides = array<i32>} : memref<15x3200xf32, #tpu.memory_space<vmem>>, vector<16xf32>,
        tpu.vector_store %arg13[%parallel_loop3A_248, %parallel_loop3A_249], %parallel_loop3A_246 {strides = array<i32>} : memref<15x3200xf32, #tpu.memory_space<vmem>>, vector<16xf32>,
        %parallel_loop3A_251 = arith.mulf %parallel_loop3A_234, %parallel_loop3A_229 : vector<16xf32>
        %parallel_loop3A_252 = arith.constant 3 : i32
        %parallel_loop3A_253 = arith.index_cast %parallel_loop3A_252 : i32 to index
        %parallel_loop3A_254 = arith.index_cast %parallel_loop3A_123 : i32 to index
        %parallel_loop3A_255 = tpu.vector_load %arg13[%parallel_loop3A_253, %parallel_loop3A_254] {strides = array<i32>} : memref<15x3200xf32, #tpu.memory_space<vmem>>, vector<16xf32>,
        tpu.vector_store %arg13[%parallel_loop3A_253, %parallel_loop3A_254], %parallel_loop3A_251 {strides = array<i32>} : memref<15x3200xf32, #tpu.memory_space<vmem>>, vector<16xf32>,
        %parallel_loop3A_256 = arith.mulf %parallel_loop3A_235, %parallel_loop3A_230 : vector<16xf32>
        %parallel_loop3A_257 = arith.constant 4 : i32
        %parallel_loop3A_258 = arith.index_cast %parallel_loop3A_257 : i32 to index
        %parallel_loop3A_259 = arith.index_cast %parallel_loop3A_123 : i32 to index
        %parallel_loop3A_260 = tpu.vector_load %arg13[%parallel_loop3A_258, %parallel_loop3A_259] {strides = array<i32>} : memref<15x3200xf32, #tpu.memory_space<vmem>>, vector<16xf32>,
        tpu.vector_store %arg13[%parallel_loop3A_258, %parallel_loop3A_259], %parallel_loop3A_256 {strides = array<i32>} : memref<15x3200xf32, #tpu.memory_space<vmem>>, vector<16xf32>,
        %parallel_loop3A_261 = arith.constant 470 : i32
        %parallel_loop3A_262 = vector.broadcast %parallel_loop3A_261 : i32 to vector<16xi32>
        %parallel_loop3A_263 = arith.addi %parallel_loop3A_127, %parallel_loop3A_262 : vector<16xi32>
        %parallel_loop3A_264 = arith.constant 564 : i32
        %parallel_loop3A_265 = vector.broadcast %parallel_loop3A_264 : i32 to vector<16xi32>
        %parallel_loop3A_266 = arith.addi %parallel_loop3A_127, %parallel_loop3A_265 : vector<16xi32>
        %parallel_loop3A_267 = arith.constant 658 : i32
        %parallel_loop3A_268 = vector.broadcast %parallel_loop3A_267 : i32 to vector<16xi32>
        %parallel_loop3A_269 = arith.addi %parallel_loop3A_127, %parallel_loop3A_268 : vector<16xi32>
        %parallel_loop3A_270 = arith.constant 752 : i32
        %parallel_loop3A_271 = vector.broadcast %parallel_loop3A_270 : i32 to vector<16xi32>
        %parallel_loop3A_272 = arith.addi %parallel_loop3A_127, %parallel_loop3A_271 : vector<16xi32>
        %parallel_loop3A_273 = arith.constant 846 : i32
        %parallel_loop3A_274 = vector.broadcast %parallel_loop3A_273 : i32 to vector<16xi32>
        %parallel_loop3A_275 = arith.addi %parallel_loop3A_127, %parallel_loop3A_274 : vector<16xi32>
        %parallel_loop3A_276 = tpu.vector_load_idx %arg11[%parallel_loop3A_263] : memref<1410xf32, #tpu.memory_space<vmem>>[vector<16xi32>], vector<16xf32>,
        %parallel_loop3A_277 = tpu.vector_load_idx %arg11[%parallel_loop3A_266] : memref<1410xf32, #tpu.memory_space<vmem>>[vector<16xi32>], vector<16xf32>,
        %parallel_loop3A_278 = tpu.vector_load_idx %arg11[%parallel_loop3A_269] : memref<1410xf32, #tpu.memory_space<vmem>>[vector<16xi32>], vector<16xf32>,
        %parallel_loop3A_279 = tpu.vector_load_idx %arg11[%parallel_loop3A_272] : memref<1410xf32, #tpu.memory_space<vmem>>[vector<16xi32>], vector<16xf32>,
        %parallel_loop3A_280 = tpu.vector_load_idx %arg11[%parallel_loop3A_275] : memref<1410xf32, #tpu.memory_space<vmem>>[vector<16xi32>], vector<16xf32>,
        %parallel_loop3A_281 = arith.mulf %parallel_loop3A_276, %parallel_loop3A_125 : vector<16xf32>
        %parallel_loop3A_282 = arith.subf %parallel_loop3A_187, %parallel_loop3A_281 : vector<16xf32>
        %parallel_loop3A_283 = arith.mulf %parallel_loop3A_277, %parallel_loop3A_125 : vector<16xf32>
        %parallel_loop3A_284 = arith.subf %parallel_loop3A_190, %parallel_loop3A_283 : vector<16xf32>
        %parallel_loop3A_285 = arith.mulf %parallel_loop3A_278, %parallel_loop3A_125 : vector<16xf32>
        %parallel_loop3A_286 = arith.subf %parallel_loop3A_190, %parallel_loop3A_285 : vector<16xf32>
        %parallel_loop3A_287 = arith.mulf %parallel_loop3A_279, %parallel_loop3A_125 : vector<16xf32>
        %parallel_loop3A_288 = arith.subf %parallel_loop3A_190, %parallel_loop3A_287 : vector<16xf32>
        %parallel_loop3A_289 = arith.mulf %parallel_loop3A_280, %parallel_loop3A_125 : vector<16xf32>
        %parallel_loop3A_290 = arith.subf %parallel_loop3A_190, %parallel_loop3A_289 : vector<16xf32>
        %parallel_loop3A_291 = math.exp %parallel_loop3A_282 : vector<16xf32>
        %parallel_loop3A_292 = math.exp %parallel_loop3A_284 : vector<16xf32>
        %parallel_loop3A_293 = math.exp %parallel_loop3A_286 : vector<16xf32>
        %parallel_loop3A_294 = math.exp %parallel_loop3A_288 : vector<16xf32>
        %parallel_loop3A_295 = math.exp %parallel_loop3A_290 : vector<16xf32>
        %parallel_loop3A_296 = tpu.vector_load_idx %arg12[%parallel_loop3A_263] : memref<1410xf32, #tpu.memory_space<vmem>>[vector<16xi32>], vector<16xf32>,
        %parallel_loop3A_297 = tpu.vector_load_idx %arg12[%parallel_loop3A_266] : memref<1410xf32, #tpu.memory_space<vmem>>[vector<16xi32>], vector<16xf32>,
        %parallel_loop3A_298 = tpu.vector_load_idx %arg12[%parallel_loop3A_269] : memref<1410xf32, #tpu.memory_space<vmem>>[vector<16xi32>], vector<16xf32>,
        %parallel_loop3A_299 = tpu.vector_load_idx %arg12[%parallel_loop3A_272] : memref<1410xf32, #tpu.memory_space<vmem>>[vector<16xi32>], vector<16xf32>,
        %parallel_loop3A_300 = tpu.vector_load_idx %arg12[%parallel_loop3A_275] : memref<1410xf32, #tpu.memory_space<vmem>>[vector<16xi32>], vector<16xf32>,
        %parallel_loop3A_301 = arith.mulf %parallel_loop3A_296, %parallel_loop3A_291 : vector<16xf32>
        %parallel_loop3A_302 = arith.constant 5 : i32
        %parallel_loop3A_303 = arith.index_cast %parallel_loop3A_302 : i32 to index
        %parallel_loop3A_304 = arith.index_cast %parallel_loop3A_123 : i32 to index
        %parallel_loop3A_305 = tpu.vector_load %arg13[%parallel_loop3A_303, %parallel_loop3A_304] {strides = array<i32>} : memref<15x3200xf32, #tpu.memory_space<vmem>>, vector<16xf32>,
        tpu.vector_store %arg13[%parallel_loop3A_303, %parallel_loop3A_304], %parallel_loop3A_301 {strides = array<i32>} : memref<15x3200xf32, #tpu.memory_space<vmem>>, vector<16xf32>,
        %parallel_loop3A_306 = arith.mulf %parallel_loop3A_297, %parallel_loop3A_292 : vector<16xf32>
        %parallel_loop3A_307 = arith.constant 6 : i32
        %parallel_loop3A_308 = arith.index_cast %parallel_loop3A_307 : i32 to index
        %parallel_loop3A_309 = arith.index_cast %parallel_loop3A_123 : i32 to index
        %parallel_loop3A_310 = tpu.vector_load %arg13[%parallel_loop3A_308, %parallel_loop3A_309] {strides = array<i32>} : memref<15x3200xf32, #tpu.memory_space<vmem>>, vector<16xf32>,
        tpu.vector_store %arg13[%parallel_loop3A_308, %parallel_loop3A_309], %parallel_loop3A_306 {strides = array<i32>} : memref<15x3200xf32, #tpu.memory_space<vmem>>, vector<16xf32>,
        %parallel_loop3A_311 = arith.mulf %parallel_loop3A_298, %parallel_loop3A_293 : vector<16xf32>
        %parallel_loop3A_312 = arith.constant 7 : i32
        %parallel_loop3A_313 = arith.index_cast %parallel_loop3A_312 : i32 to index
        %parallel_loop3A_314 = arith.index_cast %parallel_loop3A_123 : i32 to index
        %parallel_loop3A_315 = tpu.vector_load %arg13[%parallel_loop3A_313, %parallel_loop3A_314] {strides = array<i32>} : memref<15x3200xf32, #tpu.memory_space<vmem>>, vector<16xf32>,
        tpu.vector_store %arg13[%parallel_loop3A_313, %parallel_loop3A_314], %parallel_loop3A_311 {strides = array<i32>} : memref<15x3200xf32, #tpu.memory_space<vmem>>, vector<16xf32>,
        %parallel_loop3A_316 = arith.mulf %parallel_loop3A_299, %parallel_loop3A_294 : vector<16xf32>
        %parallel_loop3A_317 = arith.constant 8 : i32
        %parallel_loop3A_318 = arith.index_cast %parallel_loop3A_317 : i32 to index
        %parallel_loop3A_319 = arith.index_cast %parallel_loop3A_123 : i32 to index
        %parallel_loop3A_320 = tpu.vector_load %arg13[%parallel_loop3A_318, %parallel_loop3A_319] {strides = array<i32>} : memref<15x3200xf32, #tpu.memory_space<vmem>>, vector<16xf32>,
        tpu.vector_store %arg13[%parallel_loop3A_318, %parallel_loop3A_319], %parallel_loop3A_316 {strides = array<i32>} : memref<15x3200xf32, #tpu.memory_space<vmem>>, vector<16xf32>,
        %parallel_loop3A_321 = arith.mulf %parallel_loop3A_300, %parallel_loop3A_295 : vector<16xf32>
        %parallel_loop3A_322 = arith.constant 9 : i32
        %parallel_loop3A_323 = arith.index_cast %parallel_loop3A_322 : i32 to index
        %parallel_loop3A_324 = arith.index_cast %parallel_loop3A_123 : i32 to index
        %parallel_loop3A_325 = tpu.vector_load %arg13[%parallel_loop3A_323, %parallel_loop3A_324] {strides = array<i32>} : memref<15x3200xf32, #tpu.memory_space<vmem>>, vector<16xf32>,
        tpu.vector_store %arg13[%parallel_loop3A_323, %parallel_loop3A_324], %parallel_loop3A_321 {strides = array<i32>} : memref<15x3200xf32, #tpu.memory_space<vmem>>, vector<16xf32>,
        %parallel_loop3A_326 = arith.constant 940 : i32
        %parallel_loop3A_327 = vector.broadcast %parallel_loop3A_326 : i32 to vector<16xi32>
        %parallel_loop3A_328 = arith.addi %parallel_loop3A_127, %parallel_loop3A_327 : vector<16xi32>
        %parallel_loop3A_329 = arith.constant 1034 : i32
        %parallel_loop3A_330 = vector.broadcast %parallel_loop3A_329 : i32 to vector<16xi32>
        %parallel_loop3A_331 = arith.addi %parallel_loop3A_127, %parallel_loop3A_330 : vector<16xi32>
        %parallel_loop3A_332 = arith.constant 1128 : i32
        %parallel_loop3A_333 = vector.broadcast %parallel_loop3A_332 : i32 to vector<16xi32>
        %parallel_loop3A_334 = arith.addi %parallel_loop3A_127, %parallel_loop3A_333 : vector<16xi32>
        %parallel_loop3A_335 = arith.constant 1222 : i32
        %parallel_loop3A_336 = vector.broadcast %parallel_loop3A_335 : i32 to vector<16xi32>
        %parallel_loop3A_337 = arith.addi %parallel_loop3A_127, %parallel_loop3A_336 : vector<16xi32>
        %parallel_loop3A_338 = arith.constant 1316 : i32
        %parallel_loop3A_339 = vector.broadcast %parallel_loop3A_338 : i32 to vector<16xi32>
        %parallel_loop3A_340 = arith.addi %parallel_loop3A_127, %parallel_loop3A_339 : vector<16xi32>
        %parallel_loop3A_341 = tpu.vector_load_idx %arg11[%parallel_loop3A_328] : memref<1410xf32, #tpu.memory_space<vmem>>[vector<16xi32>], vector<16xf32>,
        %parallel_loop3A_342 = tpu.vector_load_idx %arg11[%parallel_loop3A_331] : memref<1410xf32, #tpu.memory_space<vmem>>[vector<16xi32>], vector<16xf32>,
        %parallel_loop3A_343 = tpu.vector_load_idx %arg11[%parallel_loop3A_334] : memref<1410xf32, #tpu.memory_space<vmem>>[vector<16xi32>], vector<16xf32>,
        %parallel_loop3A_344 = tpu.vector_load_idx %arg11[%parallel_loop3A_337] : memref<1410xf32, #tpu.memory_space<vmem>>[vector<16xi32>], vector<16xf32>,
        %parallel_loop3A_345 = tpu.vector_load_idx %arg11[%parallel_loop3A_340] : memref<1410xf32, #tpu.memory_space<vmem>>[vector<16xi32>], vector<16xf32>,
        %parallel_loop3A_346 = arith.mulf %parallel_loop3A_341, %parallel_loop3A_125 : vector<16xf32>
        %parallel_loop3A_347 = arith.subf %parallel_loop3A_193, %parallel_loop3A_346 : vector<16xf32>
        %parallel_loop3A_348 = arith.mulf %parallel_loop3A_342, %parallel_loop3A_125 : vector<16xf32>
        %parallel_loop3A_349 = arith.subf %parallel_loop3A_193, %parallel_loop3A_348 : vector<16xf32>
        %parallel_loop3A_350 = arith.mulf %parallel_loop3A_343, %parallel_loop3A_125 : vector<16xf32>
        %parallel_loop3A_351 = arith.subf %parallel_loop3A_193, %parallel_loop3A_350 : vector<16xf32>
        %parallel_loop3A_352 = arith.mulf %parallel_loop3A_344, %parallel_loop3A_125 : vector<16xf32>
        %parallel_loop3A_353 = arith.subf %parallel_loop3A_193, %parallel_loop3A_352 : vector<16xf32>
        %parallel_loop3A_354 = arith.mulf %parallel_loop3A_345, %parallel_loop3A_125 : vector<16xf32>
        %parallel_loop3A_355 = arith.subf %parallel_loop3A_193, %parallel_loop3A_354 : vector<16xf32>
        %parallel_loop3A_356 = math.exp %parallel_loop3A_347 : vector<16xf32>
        %parallel_loop3A_357 = math.exp %parallel_loop3A_349 : vector<16xf32>
        %parallel_loop3A_358 = math.exp %parallel_loop3A_351 : vector<16xf32>
        %parallel_loop3A_359 = math.exp %parallel_loop3A_353 : vector<16xf32>
        %parallel_loop3A_360 = math.exp %parallel_loop3A_355 : vector<16xf32>
        %parallel_loop3A_361 = tpu.vector_load_idx %arg12[%parallel_loop3A_328] : memref<1410xf32, #tpu.memory_space<vmem>>[vector<16xi32>], vector<16xf32>,
        %parallel_loop3A_362 = tpu.vector_load_idx %arg12[%parallel_loop3A_331] : memref<1410xf32, #tpu.memory_space<vmem>>[vector<16xi32>], vector<16xf32>,
        %parallel_loop3A_363 = tpu.vector_load_idx %arg12[%parallel_loop3A_334] : memref<1410xf32, #tpu.memory_space<vmem>>[vector<16xi32>], vector<16xf32>,
        %parallel_loop3A_364 = tpu.vector_load_idx %arg12[%parallel_loop3A_337] : memref<1410xf32, #tpu.memory_space<vmem>>[vector<16xi32>], vector<16xf32>,
        %parallel_loop3A_365 = tpu.vector_load_idx %arg12[%parallel_loop3A_340] : memref<1410xf32, #tpu.memory_space<vmem>>[vector<16xi32>], vector<16xf32>,
        %parallel_loop3A_366 = arith.mulf %parallel_loop3A_361, %parallel_loop3A_356 : vector<16xf32>
        %parallel_loop3A_367 = arith.constant 10 : i32
        %parallel_loop3A_368 = arith.index_cast %parallel_loop3A_367 : i32 to index
        %parallel_loop3A_369 = arith.index_cast %parallel_loop3A_123 : i32 to index
        %parallel_loop3A_370 = tpu.vector_load %arg13[%parallel_loop3A_368, %parallel_loop3A_369] {strides = array<i32>} : memref<15x3200xf32, #tpu.memory_space<vmem>>, vector<16xf32>,
        tpu.vector_store %arg13[%parallel_loop3A_368, %parallel_loop3A_369], %parallel_loop3A_366 {strides = array<i32>} : memref<15x3200xf32, #tpu.memory_space<vmem>>, vector<16xf32>,
        %parallel_loop3A_371 = arith.mulf %parallel_loop3A_362, %parallel_loop3A_357 : vector<16xf32>
        %parallel_loop3A_372 = arith.constant 11 : i32
        %parallel_loop3A_373 = arith.index_cast %parallel_loop3A_372 : i32 to index
        %parallel_loop3A_374 = arith.index_cast %parallel_loop3A_123 : i32 to index
        %parallel_loop3A_375 = tpu.vector_load %arg13[%parallel_loop3A_373, %parallel_loop3A_374] {strides = array<i32>} : memref<15x3200xf32, #tpu.memory_space<vmem>>, vector<16xf32>,
        tpu.vector_store %arg13[%parallel_loop3A_373, %parallel_loop3A_374], %parallel_loop3A_371 {strides = array<i32>} : memref<15x3200xf32, #tpu.memory_space<vmem>>, vector<16xf32>,
        %parallel_loop3A_376 = arith.mulf %parallel_loop3A_363, %parallel_loop3A_358 : vector<16xf32>
        %parallel_loop3A_377 = arith.constant 12 : i32
        %parallel_loop3A_378 = arith.index_cast %parallel_loop3A_377 : i32 to index
        %parallel_loop3A_379 = arith.index_cast %parallel_loop3A_123 : i32 to index
        %parallel_loop3A_380 = tpu.vector_load %arg13[%parallel_loop3A_378, %parallel_loop3A_379] {strides = array<i32>} : memref<15x3200xf32, #tpu.memory_space<vmem>>, vector<16xf32>,
        tpu.vector_store %arg13[%parallel_loop3A_378, %parallel_loop3A_379], %parallel_loop3A_376 {strides = array<i32>} : memref<15x3200xf32, #tpu.memory_space<vmem>>, vector<16xf32>,
        %parallel_loop3A_381 = arith.mulf %parallel_loop3A_364, %parallel_loop3A_359 : vector<16xf32>
        %parallel_loop3A_382 = arith.constant 13 : i32
        %parallel_loop3A_383 = arith.index_cast %parallel_loop3A_382 : i32 to index
        %parallel_loop3A_384 = arith.index_cast %parallel_loop3A_123 : i32 to index
        %parallel_loop3A_385 = tpu.vector_load %arg13[%parallel_loop3A_383, %parallel_loop3A_384] {strides = array<i32>} : memref<15x3200xf32, #tpu.memory_space<vmem>>, vector<16xf32>,
        tpu.vector_store %arg13[%parallel_loop3A_383, %parallel_loop3A_384], %parallel_loop3A_381 {strides = array<i32>} : memref<15x3200xf32, #tpu.memory_space<vmem>>, vector<16xf32>,
        %parallel_loop3A_386 = arith.mulf %parallel_loop3A_365, %parallel_loop3A_360 : vector<16xf32>
        %parallel_loop3A_387 = arith.constant 14 : i32
        %parallel_loop3A_388 = arith.index_cast %parallel_loop3A_387 : i32 to index
        %parallel_loop3A_389 = arith.index_cast %parallel_loop3A_123 : i32 to index
        %parallel_loop3A_390 = tpu.vector_load %arg13[%parallel_loop3A_388, %parallel_loop3A_389] {strides = array<i32>} : memref<15x3200xf32, #tpu.memory_space<vmem>>, vector<16xf32>,
        tpu.vector_store %arg13[%parallel_loop3A_388, %parallel_loop3A_389], %parallel_loop3A_386 {strides = array<i32>} : memref<15x3200xf32, #tpu.memory_space<vmem>>, vector<16xf32>,
      } {sc.loop_unroll_factor = 2 : i64, sc.parallel_access}
      %mul3A_65 = arith.constant 32 : i32
      %mul3A_66 = arith.muli %add3A_39, %mul3A_65 : i32
      %add3A_67 = arith.addi %mul3A_66, %add3A : i32
      %min3A_68 = arith.constant 999 : i32
      %min3A_69 = arith.minsi %add3A_67, %min3A_68 : i32
      %mul3A_70 = arith.constant 3200 : i32
      %mul3A_71 = arith.muli %min3A_69, %mul3A_70 : i32
      %dma_start3A_72 = arith.constant 0 : i32
      %dma_start3A_73 = tpu.memref_slice %arg6[%dma_start3A_72, %mul3A_71] : memref<15x3200000xf32, #tpu.memory_space<hbm>> -> memref<15x3200xf32, #tpu.memory_space<hbm>>
      %dma_start3A_74 = arith.constant 0 : i32
      %dma_start3A_75 = tpu.memref_slice %arg6[%dma_start3A_74, %mul3A_71] : memref<15x3200000xf32, #tpu.memory_space<hbm>> -> memref<15x3200xf32, #tpu.memory_space<hbm>>
      tpu.enqueue_dma source(%arg13 : memref<15x3200xf32, #tpu.memory_space<vmem>>) target(%dma_start3A_75 : memref<15x3200xf32, #tpu.memory_space<hbm>>) target_semaphore(%arg19 : memref<!tpu.dma_semaphore, #tpu.memory_space<semaphore_mem>>)
      %mul3A_76 = arith.constant 2 : i32
      %mul3A_77 = arith.muli %scan3A_34, %mul3A_76 : i32
      %add3A_78 = arith.constant 1 : i32
      %add3A_79 = arith.addi %mul3A_77, %add3A_78 : i32
      %dma_wait3A_80 = arith.constant 0 : i32
      %dma_wait3A_81 = tpu.memref_slice %arg2[%dma_wait3A_80] : memref<3200000xf32, #tpu.memory_space<hbm>> -> memref<3200xf32, #tpu.memory_space<hbm>>
      %dma_wait3A_82 = arith.constant 0 : i32
      %dma_wait3A_83 = tpu.memref_slice %arg2[%dma_wait3A_82] : memref<3200000xf32, #tpu.memory_space<hbm>> -> memref<3200xf32, #tpu.memory_space<hbm>>
      tpu.wait_dma2 semaphore(%arg16 : memref<!tpu.dma_semaphore, #tpu.memory_space<semaphore_mem>>) src(%dma_wait3A_83 : memref<3200xf32, #tpu.memory_space<hbm>>) dst(%arg8 : memref<3200xf32, #tpu.memory_space<vmem>>)
      %dma_wait3A_84 = arith.constant 0 : i32
      %dma_wait3A_85 = tpu.memref_slice %arg3[%dma_wait3A_84] : memref<3200000xi32, #tpu.memory_space<hbm>> -> memref<3200xi32, #tpu.memory_space<hbm>>
      %dma_wait3A_86 = arith.constant 0 : i32
      %dma_wait3A_87 = tpu.memref_slice %arg3[%dma_wait3A_86] : memref<3200000xi32, #tpu.memory_space<hbm>> -> memref<3200xi32, #tpu.memory_space<hbm>>
      tpu.wait_dma2 semaphore(%arg18 : memref<!tpu.dma_semaphore, #tpu.memory_space<semaphore_mem>>) src(%dma_wait3A_87 : memref<3200xi32, #tpu.memory_space<hbm>>) dst(%arg10 : memref<3200xi32, #tpu.memory_space<vmem>>)
      %add3A_88 = arith.constant 1 : i32
      %add3A_89 = arith.addi %add3A_79, %add3A_88 : i32
      %mul3A_90 = arith.constant 32 : i32
      %mul3A_91 = arith.muli %add3A_89, %mul3A_90 : i32
      %add3A_92 = arith.addi %mul3A_91, %add3A : i32
      %min3A_93 = arith.constant 999 : i32
      %min3A_94 = arith.minsi %add3A_92, %min3A_93 : i32
      %mul3A_95 = arith.constant 3200 : i32
      %mul3A_96 = arith.muli %min3A_94, %mul3A_95 : i32
      %dma_start3A_97 = tpu.memref_slice %arg2[%mul3A_96] : memref<3200000xf32, #tpu.memory_space<hbm>> -> memref<3200xf32, #tpu.memory_space<hbm>>
      %dma_start3A_98 = tpu.memref_slice %arg2[%mul3A_96] : memref<3200000xf32, #tpu.memory_space<hbm>> -> memref<3200xf32, #tpu.memory_space<hbm>>
      tpu.enqueue_dma source(%dma_start3A_98 : memref<3200xf32, #tpu.memory_space<hbm>>) target(%arg7 : memref<3200xf32, #tpu.memory_space<vmem>>) target_semaphore(%arg15 : memref<!tpu.dma_semaphore, #tpu.memory_space<semaphore_mem>>)
      %dma_start3A_99 = tpu.memref_slice %arg3[%mul3A_96] : memref<3200000xi32, #tpu.memory_space<hbm>> -> memref<3200xi32, #tpu.memory_space<hbm>>
      %dma_start3A_100 = tpu.memref_slice %arg3[%mul3A_96] : memref<3200000xi32, #tpu.memory_space<hbm>> -> memref<3200xi32, #tpu.memory_space<hbm>>
      tpu.enqueue_dma source(%dma_start3A_100 : memref<3200xi32, #tpu.memory_space<hbm>>) target(%arg9 : memref<3200xi32, #tpu.memory_space<vmem>>) target_semaphore(%arg17 : memref<!tpu.dma_semaphore, #tpu.memory_space<semaphore_mem>>)
      %ge3A_101 = arith.constant 2 : i32
      %ge3A_102 = arith.cmpi sge, %add3A_79, %ge3A_101 : i32
      %convert_element_type3A_103 = arith.extui %ge3A_102 : i1 to i32
      %cond3A_104 = arith.constant 0 : i32
      %cond3A_105 = arith.cmpi ne, %convert_element_type3A_103, %cond3A_104 : i32
      scf.if %cond3A_105 {
        %dma_wait3A_121 = arith.constant 0 : i32
        %dma_wait3A_122 = arith.constant 0 : i32
        %dma_wait3A_123 = tpu.memref_slice %arg6[%dma_wait3A_121, %dma_wait3A_122] : memref<15x3200000xf32, #tpu.memory_space<hbm>> -> memref<15x3200xf32, #tpu.memory_space<hbm>>
        %dma_wait3A_124 = arith.constant 0 : i32
        %dma_wait3A_125 = arith.constant 0 : i32
        %dma_wait3A_126 = tpu.memref_slice %arg6[%dma_wait3A_124, %dma_wait3A_125] : memref<15x3200000xf32, #tpu.memory_space<hbm>> -> memref<15x3200xf32, #tpu.memory_space<hbm>>
        tpu.wait_dma2 semaphore(%arg20 : memref<!tpu.dma_semaphore, #tpu.memory_space<semaphore_mem>>) src(%arg14 : memref<15x3200xf32, #tpu.memory_space<vmem>>) dst(%dma_wait3A_126 : memref<15x3200xf32, #tpu.memory_space<hbm>>)
      } else {
      }
      %parallel_loop3A_106 = arith.constant 0 : i32
      %parallel_loop3A_107 = arith.constant 200 : i32
      %parallel_loop3A_108 = arith.constant 1 : i32
      scf.for %parallel_loop3A_121 = %parallel_loop3A_106 to %parallel_loop3A_107 step %parallel_loop3A_108  : i32 {
        %parallel_loop3A_122 = arith.constant 16 : i32
        %parallel_loop3A_123 = arith.muli %parallel_loop3A_121, %parallel_loop3A_122 : i32
        %parallel_loop3A_124 = arith.index_cast %parallel_loop3A_123 : i32 to index
        %parallel_loop3A_125 = tpu.vector_load %arg8[%parallel_loop3A_124] {strides = array<i32>} : memref<3200xf32, #tpu.memory_space<vmem>>, vector<16xf32>,
        %parallel_loop3A_126 = arith.index_cast %parallel_loop3A_123 : i32 to index
        %parallel_loop3A_127 = tpu.vector_load %arg10[%parallel_loop3A_126] {strides = array<i32>} : memref<3200xi32, #tpu.memory_space<vmem>>, vector<16xi32>,
        %parallel_loop3A_128 = vector.bitcast %parallel_loop3A_125 : vector<16xf32> to vector<16xi32>
        %parallel_loop3A_129 = arith.constant 23 : i32
        %parallel_loop3A_130 = vector.broadcast %parallel_loop3A_129 : i32 to vector<16xi32>
        %parallel_loop3A_131 = arith.shrsi %parallel_loop3A_128, %parallel_loop3A_130 : vector<16xi32>
        %parallel_loop3A_132 = arith.constant 127 : i32
        %parallel_loop3A_133 = vector.broadcast %parallel_loop3A_132 : i32 to vector<16xi32>
        %parallel_loop3A_134 = arith.subi %parallel_loop3A_131, %parallel_loop3A_133 : vector<16xi32>
        %parallel_loop3A_135 = arith.constant 8388607 : i32
        %parallel_loop3A_136 = vector.broadcast %parallel_loop3A_135 : i32 to vector<16xi32>
        %parallel_loop3A_137 = arith.andi %parallel_loop3A_128, %parallel_loop3A_136 : vector<16xi32>
        %parallel_loop3A_138 = arith.constant 1065353216 : i32
        %parallel_loop3A_139 = vector.broadcast %parallel_loop3A_138 : i32 to vector<16xi32>
        %parallel_loop3A_140 = arith.ori %parallel_loop3A_137, %parallel_loop3A_139 : vector<16xi32>
        %parallel_loop3A_141 = vector.bitcast %parallel_loop3A_140 : vector<16xi32> to vector<16xf32>
        %parallel_loop3A_142 = arith.constant 1.41421354 : f32
        %parallel_loop3A_143 = vector.broadcast %parallel_loop3A_142 : f32 to vector<16xf32>
        %parallel_loop3A_144 = arith.cmpf ogt, %parallel_loop3A_141, %parallel_loop3A_143 : vector<16xf32>
        %parallel_loop3A_145 = arith.constant 5.000000e-01 : f32
        %parallel_loop3A_146 = vector.broadcast %parallel_loop3A_145 : f32 to vector<16xf32>
        %parallel_loop3A_147 = arith.mulf %parallel_loop3A_141, %parallel_loop3A_146 : vector<16xf32>
        %parallel_loop3A_148 = arith.select %parallel_loop3A_144, %parallel_loop3A_147, %parallel_loop3A_141 : vector<16xi1>, vector<16xf32>
        %parallel_loop3A_149 = arith.constant 1 : i32
        %parallel_loop3A_150 = vector.broadcast %parallel_loop3A_149 : i32 to vector<16xi32>
        %parallel_loop3A_151 = arith.addi %parallel_loop3A_134, %parallel_loop3A_150 : vector<16xi32>
        %parallel_loop3A_152 = arith.select %parallel_loop3A_144, %parallel_loop3A_151, %parallel_loop3A_134 : vector<16xi1>, vector<16xi32>
        %parallel_loop3A_153 = arith.sitofp %parallel_loop3A_152 : vector<16xi32> to vector<16xf32>
        %parallel_loop3A_154 = arith.constant 1.000000e+00 : f32
        %parallel_loop3A_155 = vector.broadcast %parallel_loop3A_154 : f32 to vector<16xf32>
        %parallel_loop3A_156 = arith.subf %parallel_loop3A_148, %parallel_loop3A_155 : vector<16xf32>
        %parallel_loop3A_157 = arith.constant 1.000000e+00 : f32
        %parallel_loop3A_158 = vector.broadcast %parallel_loop3A_157 : f32 to vector<16xf32>
        %parallel_loop3A_159 = arith.addf %parallel_loop3A_148, %parallel_loop3A_158 : vector<16xf32>
        %parallel_loop3A_160 = arith.divf %parallel_loop3A_156, %parallel_loop3A_159 : vector<16xf32>
        %parallel_loop3A_161 = arith.mulf %parallel_loop3A_160, %parallel_loop3A_160 : vector<16xf32>
        %parallel_loop3A_162 = arith.constant 0.222222224 : f32
        %parallel_loop3A_163 = vector.broadcast %parallel_loop3A_162 : f32 to vector<16xf32>
        %parallel_loop3A_164 = arith.mulf %parallel_loop3A_163, %parallel_loop3A_161 : vector<16xf32>
        %parallel_loop3A_165 = arith.constant 0.285714298 : f32
        %parallel_loop3A_166 = vector.broadcast %parallel_loop3A_165 : f32 to vector<16xf32>
        %parallel_loop3A_167 = arith.addf %parallel_loop3A_164, %parallel_loop3A_166 : vector<16xf32>
        %parallel_loop3A_168 = arith.mulf %parallel_loop3A_167, %parallel_loop3A_161 : vector<16xf32>
        %parallel_loop3A_169 = arith.constant 4.000000e-01 : f32
        %parallel_loop3A_170 = vector.broadcast %parallel_loop3A_169 : f32 to vector<16xf32>
        %parallel_loop3A_171 = arith.addf %parallel_loop3A_168, %parallel_loop3A_170 : vector<16xf32>
        %parallel_loop3A_172 = arith.mulf %parallel_loop3A_171, %parallel_loop3A_161 : vector<16xf32>
        %parallel_loop3A_173 = arith.constant 0.666666686 : f32
        %parallel_loop3A_174 = vector.broadcast %parallel_loop3A_173 : f32 to vector<16xf32>
        %parallel_loop3A_175 = arith.addf %parallel_loop3A_172, %parallel_loop3A_174 : vector<16xf32>
        %parallel_loop3A_176 = arith.mulf %parallel_loop3A_175, %parallel_loop3A_161 : vector<16xf32>
        %parallel_loop3A_177 = arith.constant 2.000000e+00 : f32
        %parallel_loop3A_178 = vector.broadcast %parallel_loop3A_177 : f32 to vector<16xf32>
        %parallel_loop3A_179 = arith.addf %parallel_loop3A_176, %parallel_loop3A_178 : vector<16xf32>
        %parallel_loop3A_180 = arith.constant 0.693147182 : f32
        %parallel_loop3A_181 = vector.broadcast %parallel_loop3A_180 : f32 to vector<16xf32>
        %parallel_loop3A_182 = arith.mulf %parallel_loop3A_153, %parallel_loop3A_181 : vector<16xf32>
        %parallel_loop3A_183 = arith.mulf %parallel_loop3A_160, %parallel_loop3A_179 : vector<16xf32>
        %parallel_loop3A_184 = arith.addf %parallel_loop3A_182, %parallel_loop3A_183 : vector<16xf32>
        %parallel_loop3A_185 = arith.constant 2.000000e+00 : f32
        %parallel_loop3A_186 = vector.broadcast %parallel_loop3A_185 : f32 to vector<16xf32>
        %parallel_loop3A_187 = arith.mulf %parallel_loop3A_186, %parallel_loop3A_184 : vector<16xf32>
        %parallel_loop3A_188 = arith.constant 2.700000e+00 : f32
        %parallel_loop3A_189 = vector.broadcast %parallel_loop3A_188 : f32 to vector<16xf32>
        %parallel_loop3A_190 = arith.mulf %parallel_loop3A_189, %parallel_loop3A_184 : vector<16xf32>
        %parallel_loop3A_191 = arith.constant 3.000000e+00 : f32
        %parallel_loop3A_192 = vector.broadcast %parallel_loop3A_191 : f32 to vector<16xf32>
        %parallel_loop3A_193 = arith.mulf %parallel_loop3A_192, %parallel_loop3A_184 : vector<16xf32>
        %parallel_loop3A_194 = arith.constant 0 : i32
        %parallel_loop3A_195 = vector.broadcast %parallel_loop3A_194 : i32 to vector<16xi32>
        %parallel_loop3A_196 = arith.addi %parallel_loop3A_127, %parallel_loop3A_195 : vector<16xi32>
        %parallel_loop3A_197 = arith.constant 94 : i32
        %parallel_loop3A_198 = vector.broadcast %parallel_loop3A_197 : i32 to vector<16xi32>
        %parallel_loop3A_199 = arith.addi %parallel_loop3A_127, %parallel_loop3A_198 : vector<16xi32>
        %parallel_loop3A_200 = arith.constant 188 : i32
        %parallel_loop3A_201 = vector.broadcast %parallel_loop3A_200 : i32 to vector<16xi32>
        %parallel_loop3A_202 = arith.addi %parallel_loop3A_127, %parallel_loop3A_201 : vector<16xi32>
        %parallel_loop3A_203 = arith.constant 282 : i32
        %parallel_loop3A_204 = vector.broadcast %parallel_loop3A_203 : i32 to vector<16xi32>
        %parallel_loop3A_205 = arith.addi %parallel_loop3A_127, %parallel_loop3A_204 : vector<16xi32>
        %parallel_loop3A_206 = arith.constant 376 : i32
        %parallel_loop3A_207 = vector.broadcast %parallel_loop3A_206 : i32 to vector<16xi32>
        %parallel_loop3A_208 = arith.addi %parallel_loop3A_127, %parallel_loop3A_207 : vector<16xi32>
        %parallel_loop3A_209 = tpu.vector_load_idx %arg11[%parallel_loop3A_196] : memref<1410xf32, #tpu.memory_space<vmem>>[vector<16xi32>], vector<16xf32>,
        %parallel_loop3A_210 = tpu.vector_load_idx %arg11[%parallel_loop3A_199] : memref<1410xf32, #tpu.memory_space<vmem>>[vector<16xi32>], vector<16xf32>,
        %parallel_loop3A_211 = tpu.vector_load_idx %arg11[%parallel_loop3A_202] : memref<1410xf32, #tpu.memory_space<vmem>>[vector<16xi32>], vector<16xf32>,
        %parallel_loop3A_212 = tpu.vector_load_idx %arg11[%parallel_loop3A_205] : memref<1410xf32, #tpu.memory_space<vmem>>[vector<16xi32>], vector<16xf32>,
        %parallel_loop3A_213 = tpu.vector_load_idx %arg11[%parallel_loop3A_208] : memref<1410xf32, #tpu.memory_space<vmem>>[vector<16xi32>], vector<16xf32>,
        %parallel_loop3A_214 = arith.mulf %parallel_loop3A_209, %parallel_loop3A_125 : vector<16xf32>
        %parallel_loop3A_215 = arith.constant 0.000000e+00 : f32
        %parallel_loop3A_216 = vector.broadcast %parallel_loop3A_215 : f32 to vector<16xf32>
        %parallel_loop3A_217 = arith.subf %parallel_loop3A_216, %parallel_loop3A_214 : vector<16xf32>
        %parallel_loop3A_218 = arith.mulf %parallel_loop3A_210, %parallel_loop3A_125 : vector<16xf32>
        %parallel_loop3A_219 = arith.subf %parallel_loop3A_184, %parallel_loop3A_218 : vector<16xf32>
        %parallel_loop3A_220 = arith.mulf %parallel_loop3A_211, %parallel_loop3A_125 : vector<16xf32>
        %parallel_loop3A_221 = arith.subf %parallel_loop3A_184, %parallel_loop3A_220 : vector<16xf32>
        %parallel_loop3A_222 = arith.mulf %parallel_loop3A_212, %parallel_loop3A_125 : vector<16xf32>
        %parallel_loop3A_223 = arith.subf %parallel_loop3A_187, %parallel_loop3A_222 : vector<16xf32>
        %parallel_loop3A_224 = arith.mulf %parallel_loop3A_213, %parallel_loop3A_125 : vector<16xf32>
        %parallel_loop3A_225 = arith.subf %parallel_loop3A_187, %parallel_loop3A_224 : vector<16xf32>
        %parallel_loop3A_226 = math.exp %parallel_loop3A_217 : vector<16xf32>
        %parallel_loop3A_227 = math.exp %parallel_loop3A_219 : vector<16xf32>
        %parallel_loop3A_228 = math.exp %parallel_loop3A_221 : vector<16xf32>
        %parallel_loop3A_229 = math.exp %parallel_loop3A_223 : vector<16xf32>
        %parallel_loop3A_230 = math.exp %parallel_loop3A_225 : vector<16xf32>
        %parallel_loop3A_231 = tpu.vector_load_idx %arg12[%parallel_loop3A_196] : memref<1410xf32, #tpu.memory_space<vmem>>[vector<16xi32>], vector<16xf32>,
        %parallel_loop3A_232 = tpu.vector_load_idx %arg12[%parallel_loop3A_199] : memref<1410xf32, #tpu.memory_space<vmem>>[vector<16xi32>], vector<16xf32>,
        %parallel_loop3A_233 = tpu.vector_load_idx %arg12[%parallel_loop3A_202] : memref<1410xf32, #tpu.memory_space<vmem>>[vector<16xi32>], vector<16xf32>,
        %parallel_loop3A_234 = tpu.vector_load_idx %arg12[%parallel_loop3A_205] : memref<1410xf32, #tpu.memory_space<vmem>>[vector<16xi32>], vector<16xf32>,
        %parallel_loop3A_235 = tpu.vector_load_idx %arg12[%parallel_loop3A_208] : memref<1410xf32, #tpu.memory_space<vmem>>[vector<16xi32>], vector<16xf32>,
        %parallel_loop3A_236 = arith.mulf %parallel_loop3A_231, %parallel_loop3A_226 : vector<16xf32>
        %parallel_loop3A_237 = arith.constant 0 : i32
        %parallel_loop3A_238 = arith.index_cast %parallel_loop3A_237 : i32 to index
        %parallel_loop3A_239 = arith.index_cast %parallel_loop3A_123 : i32 to index
        %parallel_loop3A_240 = tpu.vector_load %arg14[%parallel_loop3A_238, %parallel_loop3A_239] {strides = array<i32>} : memref<15x3200xf32, #tpu.memory_space<vmem>>, vector<16xf32>,
        tpu.vector_store %arg14[%parallel_loop3A_238, %parallel_loop3A_239], %parallel_loop3A_236 {strides = array<i32>} : memref<15x3200xf32, #tpu.memory_space<vmem>>, vector<16xf32>,
        %parallel_loop3A_241 = arith.mulf %parallel_loop3A_232, %parallel_loop3A_227 : vector<16xf32>
        %parallel_loop3A_242 = arith.constant 1 : i32
        %parallel_loop3A_243 = arith.index_cast %parallel_loop3A_242 : i32 to index
        %parallel_loop3A_244 = arith.index_cast %parallel_loop3A_123 : i32 to index
        %parallel_loop3A_245 = tpu.vector_load %arg14[%parallel_loop3A_243, %parallel_loop3A_244] {strides = array<i32>} : memref<15x3200xf32, #tpu.memory_space<vmem>>, vector<16xf32>,
        tpu.vector_store %arg14[%parallel_loop3A_243, %parallel_loop3A_244], %parallel_loop3A_241 {strides = array<i32>} : memref<15x3200xf32, #tpu.memory_space<vmem>>, vector<16xf32>,
        %parallel_loop3A_246 = arith.mulf %parallel_loop3A_233, %parallel_loop3A_228 : vector<16xf32>
        %parallel_loop3A_247 = arith.constant 2 : i32
        %parallel_loop3A_248 = arith.index_cast %parallel_loop3A_247 : i32 to index
        %parallel_loop3A_249 = arith.index_cast %parallel_loop3A_123 : i32 to index
        %parallel_loop3A_250 = tpu.vector_load %arg14[%parallel_loop3A_248, %parallel_loop3A_249] {strides = array<i32>} : memref<15x3200xf32, #tpu.memory_space<vmem>>, vector<16xf32>,
        tpu.vector_store %arg14[%parallel_loop3A_248, %parallel_loop3A_249], %parallel_loop3A_246 {strides = array<i32>} : memref<15x3200xf32, #tpu.memory_space<vmem>>, vector<16xf32>,
        %parallel_loop3A_251 = arith.mulf %parallel_loop3A_234, %parallel_loop3A_229 : vector<16xf32>
        %parallel_loop3A_252 = arith.constant 3 : i32
        %parallel_loop3A_253 = arith.index_cast %parallel_loop3A_252 : i32 to index
        %parallel_loop3A_254 = arith.index_cast %parallel_loop3A_123 : i32 to index
        %parallel_loop3A_255 = tpu.vector_load %arg14[%parallel_loop3A_253, %parallel_loop3A_254] {strides = array<i32>} : memref<15x3200xf32, #tpu.memory_space<vmem>>, vector<16xf32>,
        tpu.vector_store %arg14[%parallel_loop3A_253, %parallel_loop3A_254], %parallel_loop3A_251 {strides = array<i32>} : memref<15x3200xf32, #tpu.memory_space<vmem>>, vector<16xf32>,
        %parallel_loop3A_256 = arith.mulf %parallel_loop3A_235, %parallel_loop3A_230 : vector<16xf32>
        %parallel_loop3A_257 = arith.constant 4 : i32
        %parallel_loop3A_258 = arith.index_cast %parallel_loop3A_257 : i32 to index
        %parallel_loop3A_259 = arith.index_cast %parallel_loop3A_123 : i32 to index
        %parallel_loop3A_260 = tpu.vector_load %arg14[%parallel_loop3A_258, %parallel_loop3A_259] {strides = array<i32>} : memref<15x3200xf32, #tpu.memory_space<vmem>>, vector<16xf32>,
        tpu.vector_store %arg14[%parallel_loop3A_258, %parallel_loop3A_259], %parallel_loop3A_256 {strides = array<i32>} : memref<15x3200xf32, #tpu.memory_space<vmem>>, vector<16xf32>,
        %parallel_loop3A_261 = arith.constant 470 : i32
        %parallel_loop3A_262 = vector.broadcast %parallel_loop3A_261 : i32 to vector<16xi32>
        %parallel_loop3A_263 = arith.addi %parallel_loop3A_127, %parallel_loop3A_262 : vector<16xi32>
        %parallel_loop3A_264 = arith.constant 564 : i32
        %parallel_loop3A_265 = vector.broadcast %parallel_loop3A_264 : i32 to vector<16xi32>
        %parallel_loop3A_266 = arith.addi %parallel_loop3A_127, %parallel_loop3A_265 : vector<16xi32>
        %parallel_loop3A_267 = arith.constant 658 : i32
        %parallel_loop3A_268 = vector.broadcast %parallel_loop3A_267 : i32 to vector<16xi32>
        %parallel_loop3A_269 = arith.addi %parallel_loop3A_127, %parallel_loop3A_268 : vector<16xi32>
        %parallel_loop3A_270 = arith.constant 752 : i32
        %parallel_loop3A_271 = vector.broadcast %parallel_loop3A_270 : i32 to vector<16xi32>
        %parallel_loop3A_272 = arith.addi %parallel_loop3A_127, %parallel_loop3A_271 : vector<16xi32>
        %parallel_loop3A_273 = arith.constant 846 : i32
        %parallel_loop3A_274 = vector.broadcast %parallel_loop3A_273 : i32 to vector<16xi32>
        %parallel_loop3A_275 = arith.addi %parallel_loop3A_127, %parallel_loop3A_274 : vector<16xi32>
        %parallel_loop3A_276 = tpu.vector_load_idx %arg11[%parallel_loop3A_263] : memref<1410xf32, #tpu.memory_space<vmem>>[vector<16xi32>], vector<16xf32>,
        %parallel_loop3A_277 = tpu.vector_load_idx %arg11[%parallel_loop3A_266] : memref<1410xf32, #tpu.memory_space<vmem>>[vector<16xi32>], vector<16xf32>,
        %parallel_loop3A_278 = tpu.vector_load_idx %arg11[%parallel_loop3A_269] : memref<1410xf32, #tpu.memory_space<vmem>>[vector<16xi32>], vector<16xf32>,
        %parallel_loop3A_279 = tpu.vector_load_idx %arg11[%parallel_loop3A_272] : memref<1410xf32, #tpu.memory_space<vmem>>[vector<16xi32>], vector<16xf32>,
        %parallel_loop3A_280 = tpu.vector_load_idx %arg11[%parallel_loop3A_275] : memref<1410xf32, #tpu.memory_space<vmem>>[vector<16xi32>], vector<16xf32>,
        %parallel_loop3A_281 = arith.mulf %parallel_loop3A_276, %parallel_loop3A_125 : vector<16xf32>
        %parallel_loop3A_282 = arith.subf %parallel_loop3A_187, %parallel_loop3A_281 : vector<16xf32>
        %parallel_loop3A_283 = arith.mulf %parallel_loop3A_277, %parallel_loop3A_125 : vector<16xf32>
        %parallel_loop3A_284 = arith.subf %parallel_loop3A_190, %parallel_loop3A_283 : vector<16xf32>
        %parallel_loop3A_285 = arith.mulf %parallel_loop3A_278, %parallel_loop3A_125 : vector<16xf32>
        %parallel_loop3A_286 = arith.subf %parallel_loop3A_190, %parallel_loop3A_285 : vector<16xf32>
        %parallel_loop3A_287 = arith.mulf %parallel_loop3A_279, %parallel_loop3A_125 : vector<16xf32>
        %parallel_loop3A_288 = arith.subf %parallel_loop3A_190, %parallel_loop3A_287 : vector<16xf32>
        %parallel_loop3A_289 = arith.mulf %parallel_loop3A_280, %parallel_loop3A_125 : vector<16xf32>
        %parallel_loop3A_290 = arith.subf %parallel_loop3A_190, %parallel_loop3A_289 : vector<16xf32>
        %parallel_loop3A_291 = math.exp %parallel_loop3A_282 : vector<16xf32>
        %parallel_loop3A_292 = math.exp %parallel_loop3A_284 : vector<16xf32>
        %parallel_loop3A_293 = math.exp %parallel_loop3A_286 : vector<16xf32>
        %parallel_loop3A_294 = math.exp %parallel_loop3A_288 : vector<16xf32>
        %parallel_loop3A_295 = math.exp %parallel_loop3A_290 : vector<16xf32>
        %parallel_loop3A_296 = tpu.vector_load_idx %arg12[%parallel_loop3A_263] : memref<1410xf32, #tpu.memory_space<vmem>>[vector<16xi32>], vector<16xf32>,
        %parallel_loop3A_297 = tpu.vector_load_idx %arg12[%parallel_loop3A_266] : memref<1410xf32, #tpu.memory_space<vmem>>[vector<16xi32>], vector<16xf32>,
        %parallel_loop3A_298 = tpu.vector_load_idx %arg12[%parallel_loop3A_269] : memref<1410xf32, #tpu.memory_space<vmem>>[vector<16xi32>], vector<16xf32>,
        %parallel_loop3A_299 = tpu.vector_load_idx %arg12[%parallel_loop3A_272] : memref<1410xf32, #tpu.memory_space<vmem>>[vector<16xi32>], vector<16xf32>,
        %parallel_loop3A_300 = tpu.vector_load_idx %arg12[%parallel_loop3A_275] : memref<1410xf32, #tpu.memory_space<vmem>>[vector<16xi32>], vector<16xf32>,
        %parallel_loop3A_301 = arith.mulf %parallel_loop3A_296, %parallel_loop3A_291 : vector<16xf32>
        %parallel_loop3A_302 = arith.constant 5 : i32
        %parallel_loop3A_303 = arith.index_cast %parallel_loop3A_302 : i32 to index
        %parallel_loop3A_304 = arith.index_cast %parallel_loop3A_123 : i32 to index
        %parallel_loop3A_305 = tpu.vector_load %arg14[%parallel_loop3A_303, %parallel_loop3A_304] {strides = array<i32>} : memref<15x3200xf32, #tpu.memory_space<vmem>>, vector<16xf32>,
        tpu.vector_store %arg14[%parallel_loop3A_303, %parallel_loop3A_304], %parallel_loop3A_301 {strides = array<i32>} : memref<15x3200xf32, #tpu.memory_space<vmem>>, vector<16xf32>,
        %parallel_loop3A_306 = arith.mulf %parallel_loop3A_297, %parallel_loop3A_292 : vector<16xf32>
        %parallel_loop3A_307 = arith.constant 6 : i32
        %parallel_loop3A_308 = arith.index_cast %parallel_loop3A_307 : i32 to index
        %parallel_loop3A_309 = arith.index_cast %parallel_loop3A_123 : i32 to index
        %parallel_loop3A_310 = tpu.vector_load %arg14[%parallel_loop3A_308, %parallel_loop3A_309] {strides = array<i32>} : memref<15x3200xf32, #tpu.memory_space<vmem>>, vector<16xf32>,
        tpu.vector_store %arg14[%parallel_loop3A_308, %parallel_loop3A_309], %parallel_loop3A_306 {strides = array<i32>} : memref<15x3200xf32, #tpu.memory_space<vmem>>, vector<16xf32>,
        %parallel_loop3A_311 = arith.mulf %parallel_loop3A_298, %parallel_loop3A_293 : vector<16xf32>
        %parallel_loop3A_312 = arith.constant 7 : i32
        %parallel_loop3A_313 = arith.index_cast %parallel_loop3A_312 : i32 to index
        %parallel_loop3A_314 = arith.index_cast %parallel_loop3A_123 : i32 to index
        %parallel_loop3A_315 = tpu.vector_load %arg14[%parallel_loop3A_313, %parallel_loop3A_314] {strides = array<i32>} : memref<15x3200xf32, #tpu.memory_space<vmem>>, vector<16xf32>,
        tpu.vector_store %arg14[%parallel_loop3A_313, %parallel_loop3A_314], %parallel_loop3A_311 {strides = array<i32>} : memref<15x3200xf32, #tpu.memory_space<vmem>>, vector<16xf32>,
        %parallel_loop3A_316 = arith.mulf %parallel_loop3A_299, %parallel_loop3A_294 : vector<16xf32>
        %parallel_loop3A_317 = arith.constant 8 : i32
        %parallel_loop3A_318 = arith.index_cast %parallel_loop3A_317 : i32 to index
        %parallel_loop3A_319 = arith.index_cast %parallel_loop3A_123 : i32 to index
        %parallel_loop3A_320 = tpu.vector_load %arg14[%parallel_loop3A_318, %parallel_loop3A_319] {strides = array<i32>} : memref<15x3200xf32, #tpu.memory_space<vmem>>, vector<16xf32>,
        tpu.vector_store %arg14[%parallel_loop3A_318, %parallel_loop3A_319], %parallel_loop3A_316 {strides = array<i32>} : memref<15x3200xf32, #tpu.memory_space<vmem>>, vector<16xf32>,
        %parallel_loop3A_321 = arith.mulf %parallel_loop3A_300, %parallel_loop3A_295 : vector<16xf32>
        %parallel_loop3A_322 = arith.constant 9 : i32
        %parallel_loop3A_323 = arith.index_cast %parallel_loop3A_322 : i32 to index
        %parallel_loop3A_324 = arith.index_cast %parallel_loop3A_123 : i32 to index
        %parallel_loop3A_325 = tpu.vector_load %arg14[%parallel_loop3A_323, %parallel_loop3A_324] {strides = array<i32>} : memref<15x3200xf32, #tpu.memory_space<vmem>>, vector<16xf32>,
        tpu.vector_store %arg14[%parallel_loop3A_323, %parallel_loop3A_324], %parallel_loop3A_321 {strides = array<i32>} : memref<15x3200xf32, #tpu.memory_space<vmem>>, vector<16xf32>,
        %parallel_loop3A_326 = arith.constant 940 : i32
        %parallel_loop3A_327 = vector.broadcast %parallel_loop3A_326 : i32 to vector<16xi32>
        %parallel_loop3A_328 = arith.addi %parallel_loop3A_127, %parallel_loop3A_327 : vector<16xi32>
        %parallel_loop3A_329 = arith.constant 1034 : i32
        %parallel_loop3A_330 = vector.broadcast %parallel_loop3A_329 : i32 to vector<16xi32>
        %parallel_loop3A_331 = arith.addi %parallel_loop3A_127, %parallel_loop3A_330 : vector<16xi32>
        %parallel_loop3A_332 = arith.constant 1128 : i32
        %parallel_loop3A_333 = vector.broadcast %parallel_loop3A_332 : i32 to vector<16xi32>
        %parallel_loop3A_334 = arith.addi %parallel_loop3A_127, %parallel_loop3A_333 : vector<16xi32>
        %parallel_loop3A_335 = arith.constant 1222 : i32
        %parallel_loop3A_336 = vector.broadcast %parallel_loop3A_335 : i32 to vector<16xi32>
        %parallel_loop3A_337 = arith.addi %parallel_loop3A_127, %parallel_loop3A_336 : vector<16xi32>
        %parallel_loop3A_338 = arith.constant 1316 : i32
        %parallel_loop3A_339 = vector.broadcast %parallel_loop3A_338 : i32 to vector<16xi32>
        %parallel_loop3A_340 = arith.addi %parallel_loop3A_127, %parallel_loop3A_339 : vector<16xi32>
        %parallel_loop3A_341 = tpu.vector_load_idx %arg11[%parallel_loop3A_328] : memref<1410xf32, #tpu.memory_space<vmem>>[vector<16xi32>], vector<16xf32>,
        %parallel_loop3A_342 = tpu.vector_load_idx %arg11[%parallel_loop3A_331] : memref<1410xf32, #tpu.memory_space<vmem>>[vector<16xi32>], vector<16xf32>,
        %parallel_loop3A_343 = tpu.vector_load_idx %arg11[%parallel_loop3A_334] : memref<1410xf32, #tpu.memory_space<vmem>>[vector<16xi32>], vector<16xf32>,
        %parallel_loop3A_344 = tpu.vector_load_idx %arg11[%parallel_loop3A_337] : memref<1410xf32, #tpu.memory_space<vmem>>[vector<16xi32>], vector<16xf32>,
        %parallel_loop3A_345 = tpu.vector_load_idx %arg11[%parallel_loop3A_340] : memref<1410xf32, #tpu.memory_space<vmem>>[vector<16xi32>], vector<16xf32>,
        %parallel_loop3A_346 = arith.mulf %parallel_loop3A_341, %parallel_loop3A_125 : vector<16xf32>
        %parallel_loop3A_347 = arith.subf %parallel_loop3A_193, %parallel_loop3A_346 : vector<16xf32>
        %parallel_loop3A_348 = arith.mulf %parallel_loop3A_342, %parallel_loop3A_125 : vector<16xf32>
        %parallel_loop3A_349 = arith.subf %parallel_loop3A_193, %parallel_loop3A_348 : vector<16xf32>
        %parallel_loop3A_350 = arith.mulf %parallel_loop3A_343, %parallel_loop3A_125 : vector<16xf32>
        %parallel_loop3A_351 = arith.subf %parallel_loop3A_193, %parallel_loop3A_350 : vector<16xf32>
        %parallel_loop3A_352 = arith.mulf %parallel_loop3A_344, %parallel_loop3A_125 : vector<16xf32>
        %parallel_loop3A_353 = arith.subf %parallel_loop3A_193, %parallel_loop3A_352 : vector<16xf32>
        %parallel_loop3A_354 = arith.mulf %parallel_loop3A_345, %parallel_loop3A_125 : vector<16xf32>
        %parallel_loop3A_355 = arith.subf %parallel_loop3A_193, %parallel_loop3A_354 : vector<16xf32>
        %parallel_loop3A_356 = math.exp %parallel_loop3A_347 : vector<16xf32>
        %parallel_loop3A_357 = math.exp %parallel_loop3A_349 : vector<16xf32>
        %parallel_loop3A_358 = math.exp %parallel_loop3A_351 : vector<16xf32>
        %parallel_loop3A_359 = math.exp %parallel_loop3A_353 : vector<16xf32>
        %parallel_loop3A_360 = math.exp %parallel_loop3A_355 : vector<16xf32>
        %parallel_loop3A_361 = tpu.vector_load_idx %arg12[%parallel_loop3A_328] : memref<1410xf32, #tpu.memory_space<vmem>>[vector<16xi32>], vector<16xf32>,
        %parallel_loop3A_362 = tpu.vector_load_idx %arg12[%parallel_loop3A_331] : memref<1410xf32, #tpu.memory_space<vmem>>[vector<16xi32>], vector<16xf32>,
        %parallel_loop3A_363 = tpu.vector_load_idx %arg12[%parallel_loop3A_334] : memref<1410xf32, #tpu.memory_space<vmem>>[vector<16xi32>], vector<16xf32>,
        %parallel_loop3A_364 = tpu.vector_load_idx %arg12[%parallel_loop3A_337] : memref<1410xf32, #tpu.memory_space<vmem>>[vector<16xi32>], vector<16xf32>,
        %parallel_loop3A_365 = tpu.vector_load_idx %arg12[%parallel_loop3A_340] : memref<1410xf32, #tpu.memory_space<vmem>>[vector<16xi32>], vector<16xf32>,
        %parallel_loop3A_366 = arith.mulf %parallel_loop3A_361, %parallel_loop3A_356 : vector<16xf32>
        %parallel_loop3A_367 = arith.constant 10 : i32
        %parallel_loop3A_368 = arith.index_cast %parallel_loop3A_367 : i32 to index
        %parallel_loop3A_369 = arith.index_cast %parallel_loop3A_123 : i32 to index
        %parallel_loop3A_370 = tpu.vector_load %arg14[%parallel_loop3A_368, %parallel_loop3A_369] {strides = array<i32>} : memref<15x3200xf32, #tpu.memory_space<vmem>>, vector<16xf32>,
        tpu.vector_store %arg14[%parallel_loop3A_368, %parallel_loop3A_369], %parallel_loop3A_366 {strides = array<i32>} : memref<15x3200xf32, #tpu.memory_space<vmem>>, vector<16xf32>,
        %parallel_loop3A_371 = arith.mulf %parallel_loop3A_362, %parallel_loop3A_357 : vector<16xf32>
        %parallel_loop3A_372 = arith.constant 11 : i32
        %parallel_loop3A_373 = arith.index_cast %parallel_loop3A_372 : i32 to index
        %parallel_loop3A_374 = arith.index_cast %parallel_loop3A_123 : i32 to index
        %parallel_loop3A_375 = tpu.vector_load %arg14[%parallel_loop3A_373, %parallel_loop3A_374] {strides = array<i32>} : memref<15x3200xf32, #tpu.memory_space<vmem>>, vector<16xf32>,
        tpu.vector_store %arg14[%parallel_loop3A_373, %parallel_loop3A_374], %parallel_loop3A_371 {strides = array<i32>} : memref<15x3200xf32, #tpu.memory_space<vmem>>, vector<16xf32>,
        %parallel_loop3A_376 = arith.mulf %parallel_loop3A_363, %parallel_loop3A_358 : vector<16xf32>
        %parallel_loop3A_377 = arith.constant 12 : i32
        %parallel_loop3A_378 = arith.index_cast %parallel_loop3A_377 : i32 to index
        %parallel_loop3A_379 = arith.index_cast %parallel_loop3A_123 : i32 to index
        %parallel_loop3A_380 = tpu.vector_load %arg14[%parallel_loop3A_378, %parallel_loop3A_379] {strides = array<i32>} : memref<15x3200xf32, #tpu.memory_space<vmem>>, vector<16xf32>,
        tpu.vector_store %arg14[%parallel_loop3A_378, %parallel_loop3A_379], %parallel_loop3A_376 {strides = array<i32>} : memref<15x3200xf32, #tpu.memory_space<vmem>>, vector<16xf32>,
        %parallel_loop3A_381 = arith.mulf %parallel_loop3A_364, %parallel_loop3A_359 : vector<16xf32>
        %parallel_loop3A_382 = arith.constant 13 : i32
        %parallel_loop3A_383 = arith.index_cast %parallel_loop3A_382 : i32 to index
        %parallel_loop3A_384 = arith.index_cast %parallel_loop3A_123 : i32 to index
        %parallel_loop3A_385 = tpu.vector_load %arg14[%parallel_loop3A_383, %parallel_loop3A_384] {strides = array<i32>} : memref<15x3200xf32, #tpu.memory_space<vmem>>, vector<16xf32>,
        tpu.vector_store %arg14[%parallel_loop3A_383, %parallel_loop3A_384], %parallel_loop3A_381 {strides = array<i32>} : memref<15x3200xf32, #tpu.memory_space<vmem>>, vector<16xf32>,
        %parallel_loop3A_386 = arith.mulf %parallel_loop3A_365, %parallel_loop3A_360 : vector<16xf32>
        %parallel_loop3A_387 = arith.constant 14 : i32
        %parallel_loop3A_388 = arith.index_cast %parallel_loop3A_387 : i32 to index
        %parallel_loop3A_389 = arith.index_cast %parallel_loop3A_123 : i32 to index
        %parallel_loop3A_390 = tpu.vector_load %arg14[%parallel_loop3A_388, %parallel_loop3A_389] {strides = array<i32>} : memref<15x3200xf32, #tpu.memory_space<vmem>>, vector<16xf32>,
        tpu.vector_store %arg14[%parallel_loop3A_388, %parallel_loop3A_389], %parallel_loop3A_386 {strides = array<i32>} : memref<15x3200xf32, #tpu.memory_space<vmem>>, vector<16xf32>,
      } {sc.loop_unroll_factor = 2 : i64, sc.parallel_access}
      %mul3A_109 = arith.constant 32 : i32
      %mul3A_110 = arith.muli %add3A_79, %mul3A_109 : i32
      %add3A_111 = arith.addi %mul3A_110, %add3A : i32
      %min3A_112 = arith.constant 999 : i32
      %min3A_113 = arith.minsi %add3A_111, %min3A_112 : i32
      %mul3A_114 = arith.constant 3200 : i32
      %mul3A_115 = arith.muli %min3A_113, %mul3A_114 : i32
      %dma_start3A_116 = arith.constant 0 : i32
      %dma_start3A_117 = tpu.memref_slice %arg6[%dma_start3A_116, %mul3A_115] : memref<15x3200000xf32, #tpu.memory_space<hbm>> -> memref<15x3200xf32, #tpu.memory_space<hbm>>
      %dma_start3A_118 = arith.constant 0 : i32
      %dma_start3A_119 = tpu.memref_slice %arg6[%dma_start3A_118, %mul3A_115] : memref<15x3200000xf32, #tpu.memory_space<hbm>> -> memref<15x3200xf32, #tpu.memory_space<hbm>>
      tpu.enqueue_dma source(%arg14 : memref<15x3200xf32, #tpu.memory_space<vmem>>) target(%dma_start3A_119 : memref<15x3200xf32, #tpu.memory_space<hbm>>) target_semaphore(%arg20 : memref<!tpu.dma_semaphore, #tpu.memory_space<semaphore_mem>>)
      %scan3A_120 = arith.constant 0 : i32
      scf.yield %scan3A_120 : i32
    }
    %scan3A_14 = arith.constant 16 : i32
    %dma_wait3A = arith.constant 0 : i32
    %dma_wait3A_15 = tpu.memref_slice %arg2[%dma_wait3A] : memref<3200000xf32, #tpu.memory_space<hbm>> -> memref<3200xf32, #tpu.memory_space<hbm>>
    %dma_wait3A_16 = arith.constant 0 : i32
    %dma_wait3A_17 = tpu.memref_slice %arg2[%dma_wait3A_16] : memref<3200000xf32, #tpu.memory_space<hbm>> -> memref<3200xf32, #tpu.memory_space<hbm>>
    tpu.wait_dma2 semaphore(%arg15 : memref<!tpu.dma_semaphore, #tpu.memory_space<semaphore_mem>>) src(%dma_wait3A_17 : memref<3200xf32, #tpu.memory_space<hbm>>) dst(%arg7 : memref<3200xf32, #tpu.memory_space<vmem>>)
    %dma_wait3A_18 = arith.constant 0 : i32
    %dma_wait3A_19 = tpu.memref_slice %arg3[%dma_wait3A_18] : memref<3200000xi32, #tpu.memory_space<hbm>> -> memref<3200xi32, #tpu.memory_space<hbm>>
    %dma_wait3A_20 = arith.constant 0 : i32
    %dma_wait3A_21 = tpu.memref_slice %arg3[%dma_wait3A_20] : memref<3200000xi32, #tpu.memory_space<hbm>> -> memref<3200xi32, #tpu.memory_space<hbm>>
    tpu.wait_dma2 semaphore(%arg17 : memref<!tpu.dma_semaphore, #tpu.memory_space<semaphore_mem>>) src(%dma_wait3A_21 : memref<3200xi32, #tpu.memory_space<hbm>>) dst(%arg9 : memref<3200xi32, #tpu.memory_space<vmem>>)
    %dma_wait3A_22 = arith.constant 0 : i32
    %dma_wait3A_23 = arith.constant 0 : i32
    %dma_wait3A_24 = tpu.memref_slice %arg6[%dma_wait3A_22, %dma_wait3A_23] : memref<15x3200000xf32, #tpu.memory_space<hbm>> -> memref<15x3200xf32, #tpu.memory_space<hbm>>
    %dma_wait3A_25 = arith.constant 0 : i32
    %dma_wait3A_26 = arith.constant 0 : i32
    %dma_wait3A_27 = tpu.memref_slice %arg6[%dma_wait3A_25, %dma_wait3A_26] : memref<15x3200000xf32, #tpu.memory_space<hbm>> -> memref<15x3200xf32, #tpu.memory_space<hbm>>
    tpu.wait_dma2 semaphore(%arg19 : memref<!tpu.dma_semaphore, #tpu.memory_space<semaphore_mem>>) src(%arg13 : memref<15x3200xf32, #tpu.memory_space<vmem>>) dst(%dma_wait3A_27 : memref<15x3200xf32, #tpu.memory_space<hbm>>)
    %dma_wait3A_28 = arith.constant 0 : i32
    %dma_wait3A_29 = arith.constant 0 : i32
    %dma_wait3A_30 = tpu.memref_slice %arg6[%dma_wait3A_28, %dma_wait3A_29] : memref<15x3200000xf32, #tpu.memory_space<hbm>> -> memref<15x3200xf32, #tpu.memory_space<hbm>>
    %dma_wait3A_31 = arith.constant 0 : i32
    %dma_wait3A_32 = arith.constant 0 : i32
    %dma_wait3A_33 = tpu.memref_slice %arg6[%dma_wait3A_31, %dma_wait3A_32] : memref<15x3200000xf32, #tpu.memory_space<hbm>> -> memref<15x3200xf32, #tpu.memory_space<hbm>>
    tpu.wait_dma2 semaphore(%arg20 : memref<!tpu.dma_semaphore, #tpu.memory_space<semaphore_mem>>) src(%arg14 : memref<15x3200xf32, #tpu.memory_space<vmem>>) dst(%dma_wait3A_33 : memref<15x3200xf32, #tpu.memory_space<hbm>>)
    return
  }
}

</mosaic_0001>

<sc_bundles>
// kernel: kernel.3.cloned.1.call-start
scs
__scs_entry_jumppad:
0x0: {  	(pc) =	sbr.rel $0x88, $3  }
0x1: {  	(tag) =	ssettag $0x0;
	lr =	simm.s32 $0x1  }
0x2: {  	[smem:$0x3F9D] =	sst lr;
	_ =	strace $0xD0000000  }
0x3: {  	_ = 	snop  }
0x4: {  	_ = 	snop  }
0x5: {  	_ = 	snop  }
0x6: {  	_ = 	snop  }
0x7: {  	_ = 	snop  }
__scs_overlays_trampoline_lowered:
0x8: {  	[smem:$0x3FAC] =	sst s0  }
0x9: {  	[smem:$0x3FAD] =	sst s1  }
0xa: {  	[smem:$0x3FAE] =	sst s2  }
0xb: {  	[smem:$0x3FAF] =	sst s3  }
0xc: {  	[smem:$0x3FB0] =	sst s4  }
0xd: {  	[smem:$0x3FB1] =	sst s5  }
0xe: {  	[smem:$0x3FB2] =	sst s6  }
0xf: {  	[smem:$0x3FB3] =	sst s7  }
0x10: {  	[smem:$0x3FB4] =	sst s8  }
0x11: {  	[smem:$0x3FB5] =	sst s9;
	s0 =	simm.s32 @!p0 $0x0  }
0x12: {  	s1 =	sld [smem:$0x3F9B];
	s0 =	simm.s32 @p0 $0x1  }
0x13: {  	[smem:$0x3FB6] =	sst s0;
	s0 =	simm.s32 @!p1 $0x0  }
0x14: {  	s2 =	sld [smem:$0x3F9A];
	s0 =	simm.s32 @p1 $0x1  }
0x15: {  	[smem:$0x3FB7] =	sst s0;
	s0 =	simm.s32 @!p2 $0x0  }
0x16: {  	s3 =	sld [smem:$0x3FDB];
	s0 =	simm.s32 @p2 $0x1  }
0x17: {  	s4 =	simm.s32 $0x1BF5;
	[smem:$0x3FB9] =	sst s0  }
0x18: {  	s0 =	sld [smem:$0x3F9C];
	_ =	swait.ge [sflag:s4], $0x0  }
0x19: {  	s7 =	sld [smem:$0x3F9D]  }
0x1a: {  	s8 =	sadd.s32 $0xFFFFE003, lr  }
0x1b: {  	s9 =	sadd.s32 $0xFFFFFEF7, lr;
	s5 =	simm.s32 $0xFFFFFFFF;
	p2 =	slt.u32 s8, $0xFFFFF086  }
0x1c: {  	p1 =	slt.u32 s9, $0xF7A;
	s5 =	simm.s32 @!p2 $0x0  }
0x1d: {  	s5 =	simm.s32 @p1 $0x1;
	p0 =	seq.s32 s7, s2  }
0x1e: {  	s7 =	smul.u32 @!p0 $0xF7A, s2;
	p2 =	seq.s32 @!p0 s5, $0x0  }
0x1f: {  	s9 =	smul.u32 $0xF7A, s1;
	s8 =	simm.s32 @!p0 $0x1BF5;
	p2 =	por !p2, p0  }
0x20: {  	[sflag:s8] =	ssyncset.s32 @!p0 $0xFFFFF086;
	s6 =	sadd.s32 @!p0 s3, s7;
	s7 =	simm.s32 @!p0 $0x108  }
0x21: {  	s3 =	sadd.s32 s3, s9;
	s6 =	sadd.s32 @!p0 $0x88, s6;
	s7 =	simm.s32 @p2 $0x1082  }
0x22: {  	[simem:s7], [sflag:s8] =	dma.local @!p0 [hbm:s6], $0xF7A  }
0x23: {  	s9 =	sor.u32 $0xD0000000, s2;
	s6 =	simm.s32 $0x108;
	_ =	swait.ge @!p0 [sflag:s8], $0x0  }
0x24: {  	s3 =	sadd.s32 $0x88, s3;
	s6 =	simm.s32 @!p1 $0x1082;
	[sflag:s4] =	ssyncset.s32 $0xFFFFF086  }
0x25: {  	[simem:s6], [sflag:s4] =	dma.local [hbm:s3], $0xF7A  }
0x26: {  	[smem:$0x3F9D] =	sst s1;
	(tag) =	ssettag s2;
	_ =	strace s9  }
0x27: {  	s1 =	sld [smem:$0x3FAD]  }
0x28: {  	s2 =	sld [smem:$0x3FAE]  }
0x29: {  	s4 =	sld [smem:$0x3FB0]  }
0x2a: {  	p0 =	seq.s32 s5, $0x0;
	s5 =	sld [smem:$0x3FB1]  }
0x2b: {  	s6 =	sld [smem:$0x3FB2]  }
0x2c: {  	s7 =	sld [smem:$0x3FB3]  }
0x2d: {  	s3 =	simm.s32 $0x108;
	s8 =	sld [smem:$0x3FB4]  }
0x2e: {  	s3 =	simm.s32 @!p0 $0x1082;
	s9 =	sld [smem:$0x3FB5]  }
0x2f: {  	lr =	sadd.s32 s0, s3;
	s0 =	sld [smem:$0x3FAC]  }
0x30: {  	s3 =	sld [smem:$0x3FAF]  }
0x31: {  	[smem:$0x3FB8] =	sst s10  }
0x32: {  	s10 =	sld [smem:$0x3FB6];
	_ =	sdelay $0x3  }
0x33: {  	p0 =	seq.s32 s10, $0x1;
	s10 =	sld [smem:$0x3FB8];
	_ =	sdelay $0x3  }
0x34: {  	[smem:$0x3FB8] =	sst s10  }
0x35: {  	s10 =	sld [smem:$0x3FB7];
	_ =	sdelay $0x3  }
0x36: {  	p1 =	seq.s32 s10, $0x1;
	s10 =	sld [smem:$0x3FB8];
	_ =	sdelay $0x3  }
0x37: {  	[smem:$0x3FB8] =	sst s10  }
0x38: {  	s10 =	sld [smem:$0x3FB9]  }
0x39: {  	_ = 	snop;
	(pc) =	sbr.ind lr, $3  }
0x3a: {  	_ = 	snop  }
0x3b: {  	_ = 	snop  }
0x3c: {  	p2 =	seq.s32 s10, $0x1;
	s10 =	sld [smem:$0x3FB8]  }
0x3d: {  	_ =	shalt  }
0x3e: {  	_ =	shalt  }
0x3f: {  	_ =	shalt  }
0x40: {  	_ =	shalt  }
0x41: {  	_ =	shalt  }
0x42: {  	_ =	shalt  }
0x43: {  	_ =	shalt  }
0x44: {  	_ =	shalt  }
0x45: {  	_ =	shalt  }
0x46: {  	_ =	shalt  }
0x47: {  	_ =	shalt  }
0x48: {  	_ =	shalt  }
0x49: {  	_ =	shalt  }
0x4a: {  	_ =	shalt  }
0x4b: {  	_ =	shalt  }
0x4c: {  	_ =	shalt  }
0x4d: {  	_ =	shalt  }
0x4e: {  	_ =	shalt  }
0x4f: {  	_ =	shalt  }
0x50: {  	_ =	shalt  }
0x51: {  	_ =	shalt  }
0x52: {  	_ =	shalt  }
0x53: {  	_ =	shalt  }
0x54: {  	_ =	shalt  }
0x55: {  	_ =	shalt  }
0x56: {  	_ =	shalt  }
0x57: {  	_ =	shalt  }
0x58: {  	_ =	shalt  }
0x59: {  	_ =	shalt  }
0x5a: {  	_ =	shalt  }
0x5b: {  	_ =	shalt  }
0x5c: {  	_ =	shalt  }
0x5d: {  	_ =	shalt  }
0x5e: {  	_ =	shalt  }
0x5f: {  	_ =	shalt  }
0x60: {  	_ =	shalt  }
0x61: {  	_ =	shalt  }
0x62: {  	_ =	shalt  }
0x63: {  	_ =	shalt  }
0x64: {  	_ =	shalt  }
0x65: {  	_ =	shalt  }
0x66: {  	_ =	shalt  }
0x67: {  	_ =	shalt  }
0x68: {  	_ =	shalt  }
0x69: {  	_ =	shalt  }
0x6a: {  	_ =	shalt  }
0x6b: {  	_ =	shalt  }
0x6c: {  	_ =	shalt  }
0x6d: {  	_ =	shalt  }
0x6e: {  	_ =	shalt  }
0x6f: {  	_ =	shalt  }
0x70: {  	_ =	shalt  }
0x71: {  	_ =	shalt  }
0x72: {  	_ =	shalt  }
0x73: {  	_ =	shalt  }
0x74: {  	_ =	shalt  }
0x75: {  	_ =	shalt  }
0x76: {  	_ =	shalt  }
0x77: {  	_ =	shalt  }
0x78: {  	_ =	shalt  }
0x79: {  	_ =	shalt  }
0x7a: {  	_ =	shalt  }
0x7b: {  	_ =	shalt  }
0x7c: {  	_ =	shalt  }
0x7d: {  	_ =	shalt  }
0x7e: {  	_ =	shalt  }
0x7f: {  	_ =	shalt  }
0x80: {  	_ =	shalt  }
0x81: {  	_ =	shalt  }
0x82: {  	_ =	shalt  }
0x83: {  	_ =	shalt  }
0x84: {  	_ =	shalt  }
0x85: {  	_ =	shalt  }
0x86: {  	_ =	shalt  }
0x87: {  	_ =	shalt  }
.Lfunc_end0:
.L_simem_size_0:
called_computation_lowered:
.L_overlay_start_0:
0x88: {  	s2 =	sld [smem:$0x3FD9]  }
0x89: {  	s3 =	sld [smem:$0x3FFE];
	_ =	sdelay $0x1  }
0x8a: {  	s1 =	srdreg.scid  }
0x8b: {  	s0 =	sand.u32 $0x1, s1  }
0x8c: {  	s17 =	sshll.u32 s0, $0xA;
	s2 =	sadd.s32 s3, s2  }
0x8d: {  	s2 =	sadd.s32 s2, s17  }
0x8e: {  	[smem:$0x3FC4] =	sst s2  }
0x8f: {  	_ = 	snop  }
0x90: {  	s2 =	sld [smem:$0x3FC9]  }
0x91: {  	s18 =	sld [smem:$0x3FC8]  }
0x92: {  	s4 =	sld [smem:$0x3FD0];
	(tm) =	ssettm $0x1  }
0x93: {  	s5 =	sld [smem:$0x3FFB];
	_ =	sdelay $0x3  }
0x94: {  	_ =	strace s5  }
0x95: {  	s5 =	sld [smem:$0x3FFC];
	_ =	sdelay $0x3  }
0x96: {  	_ =	strace s5  }
0x97: {  	s5 =	sld [smem:$0x3FFD];
	_ =	sdelay $0x3  }
0x98: {  	_ =	strace s5  }
0x99: {  	_ =	strace $0x8FFFFFFF  }
0x9a: {  	s19 =	sld [smem:$0x3FDB];
	_ =	sdelay $0x1  }
0x9b: {  	s6 =	simm.s32 $_scs_section_size  }
0x9c: {  	s7 =	simm.s32 $_size__tile_overlayer_lowered;
	s8 =	simm.s32 $_tile_overlayer_lowered  }
0x9d: {  	s22 =	simm.s32 $0x1BFF;
	s21 =	sshll.u32 s8, $0x1;
	s5 =	sadd.s32 s6, s19  }
0x9e: {  	s9 =	simm.s32 $0x0;
	s20 =	sshll.u32 s7, $0x1;
	s7 =	sadd.s32 s21, s5  }
0x9f: {  	[timem:s9], [sflag:s22] =	dma.local [hbm:s7], s20  }
0xa0: {  	_ =	swait.ge [sflag:s22], s20  }
0xa1: {  	s6 =	ssub.s32 $0x0, s20;
	[sflag:s22] =	ssyncset.done $0x0  }
0xa2: {  	[sflag:s22] =	ssyncadd.s32 s6;
	_ =	sdelay $0x1  }
0xa3: {  	s23 =	simm.s32 $0x1B8B  }
0xa4: {  	_ =	swait.ge [sflag:s23], $0x1  }
0xa5: {  	[sflag:s23] =	ssyncset.done $0x0  }
0xa6: {  	s25 =	simm.s32 $0x1B8E;
	s24 =	sld [smem:$0x3FFE];
	[sflag:s23] =	ssyncadd.s32 $0xFFFFFFFF  }
0xa7: {  	s26 =	simm.s32 $execute0_lowered;
	[smem:$0x3FD2] =	sst s25  }
0xa8: {  	s7 =	sshll.u32 s26, $0x1;
	_ =	strace $0x80000046;
	[dreg:$0x1] =	wrdreg $0xFFFFFFFF  }
0xa9: {  	s28 =	simm.s32 $_size_execute0_lowered;
	s5 =	sadd.s32 s5, s7;
	[dreg:$0x0] =	wrdreg $0x0  }
0xaa: {  	s7 =	sshll.u32 s28, $0x1;
	[dreg:$0x2] =	wrdreg s5  }
0xab: {  	[dreg:$0x3] =	wrdreg s7  }
0xac: {  	[dreg:$0x4] =	wrdreg $0xC0  }
0xad: {  	_ =	task [dreg:s9], $0x5FFFF  }
0xae: {  	[dreg:$0x1] =	wrdreg $0xFFFFFFFF  }
0xaf: {  	[dreg:$0x0] =	wrdreg $0x60  }
0xb0: {  	[dreg:$0x2] =	wrdreg s2  }
0xb1: {  	[dreg:$0x3] =	wrdreg s18  }
0xb2: {  	[dreg:$0x4] =	wrdreg s24  }
0xb3: {  	[dreg:$0x5] =	wrdreg s4  }
0xb4: {  	[dreg:$0x6] =	wrdreg $0x9  }
0xb5: {  	_ =	task.clear_ibuf [dreg:s9], $0x7FFFF;
	_ =	strace $0x90000046  }
0xb6: {  	s29 =	simm.s32 $0x9;
	_ =	strace $0x80000048  }
0xb7: {  	_ =	swait.ge [sflag:s29], $0x1  }
0xb8: {  	[sflag:s29] =	ssyncadd.s32 $0xFFFFFFFF  }
0xb9: {  	_ =	strace $0x90000048  }
0xba: {  	_ =	sfence  }
0xbb: {  	s30 =	sld [smem:$0x0];
	_ =	sdelay $0x2  }
0xbc: {  	s31 =	sshll.u32 s1, $0xD;
	s1 =	sshrl.u32 s1, $0x2  }
0xbd: {  	s3 =	sand.u32 $0x4000, s31;
	s1 =	sadd.s32 s1, s30  }
0xbe: {  	s0 =	sor.u32 s3, s0;
	s1 =	sshll.u32 s1, $0x11  }
0xbf: {  	s0 =	sor.u32 s1, s0  }
0xc0: {  	s0 =	sadd.s32 $0x8F2B, s0  }
0xc1: {  	[sflag:s0] =	ssyncadd.remote.s32 $0x1  }
0xc2: {  	_ =	sfence.sel $0xFFFF  }
0xc3: {  	[dreg:$0x0] =	wrdreg $0xFFFFFFFF;
	(pc) =	sbr.abs _section_cstart, $3  }
0xc4: {  	[dreg:$0x1] =	wrdreg $0xFFFFFFFF  }
0xc5: {  	_ =	task.clear_ibuf [dreg:s9], $0x2FFFF;
	_ =	strace $0x9FFFFFFF  }
0xc6: {  	(tm) =	ssettm $0x7FFFFFFF  }
0xc7: {  	_ =	shalt  }
tec
execute0_lowered:
.L_overlay_start_1:
0x0: {  	(tag) =	ssettag $0x1  }
0x1: {  	s30 =	rddreg [dreg:$0x0]  }
0x2: {  	s4 =	rddreg [dreg:$0x1]  }
0x3: {  	s0 =	rddreg [dreg:$0x2]  }
0x4: {  	s1 =	srdreg.scid;
	s2 =	stileid.u32  }
0x5: {  	s5 =	simm.s32 $0x0;
	s13 =	simm.s32 $0x3200;
	s15 =	simm.s32 $0x3800  }
0x6: {  	s17 =	simm.s32 $0x1;
	s1 =	sand.u32 $0x1, s1;
	s2 =	sshll.u32 s2, $0x1  }
0x7: {  	[smem:$0x7FF] =	sst s5;
	s7 =	sadd.s32 $0x400, s0;
	s0 =	sadd.s32 $0x600, s0  }
0x8: {  	s6 =	sor.u32 s1, s2;
	_ =	strace $0x80000047;
	[dreg:$0x6] =	wrdreg s7  }
0x9: {  	s18 =	simm.s32 $0x3;
	[dreg:$0x7] =	wrdreg s0;
	s2 =	smul.u32 $0x190, s6  }
0xa: {  	s3 =	ssub.s32 $0x2, s1;
	[dreg:$0x5] =	wrdreg s6;
	s31 =	sor.u32 $0x40, s6  }
0xb: {  	s25 =	sshrl.u32 s3, $0x1;
	[dreg:$0xa] =	wrdreg s31;
	s28 =	sadd.s32 s30, s2  }
0xc: {  	s26 =	ssub.s32 s3, s25;
	s29 =	sadd.s32 s4, s2;
	[dreg:$0x8] =	wrdreg s28  }
0xd: {  	s24 =	simm.s32 $0x2;
	s0 =	smax.u32 s26, $0x1;
	[dreg:$0x9] =	wrdreg s29  }
0xe: {  	v0 =	vimm.s32 $0xFFFFFF81;
	s25 =	simm.s32 $0x4;
	s2 =	simm.s32 $0x0;
	[dreg:$0xb] =	wrdreg s0  }
.LBB2_1:
0xf: {  	[dreg:$0xc] =	wrdreg s2  }
0x10: {  	s0 =	rddreg [dreg:$0x6];
	s1 =	simm.s32 $0x7  }
0x11: {  	[tilespmem:s13], [sflag:$0x7] =	stream.linear.gather [hbm4b:s0+s5], $0x600, $0x38;
	[tilespmem:$0x1CE00] =	vst v63  }
0x12: {  	_ =	swait.ge [sflag:s1], $0x600  }
0x13: {  	[sflag:s1] =	ssyncset.done $0x0  }
0x14: {  	s23 =	rddreg [dreg:$0x7];
	[sflag:s1] =	ssyncadd.s32 $0xFFFFFA00  }
0x15: {  	[tilespmem:s15], [sflag:$0x7] =	stream.linear.gather [hbm4b:s23+s5], $0x600, $0x38;
	[tilespmem:$0x1CE00] =	vst v63  }
0x16: {  	_ =	swait.ge [sflag:s1], $0x600  }
0x17: {  	[sflag:s1] =	ssyncset.done $0x0  }
0x18: {  	s26 =	rddreg [dreg:$0x8];
	[sflag:s1] =	ssyncadd.s32 $0xFFFFFA00  }
0x19: {  	[tilespmem:s5], [sflag:$0x1] =	stream.linear.gather [hbm4b:s26+s5], $0xC80, $0x38;
	[tilespmem:$0x1CE00] =	vst v63  }
0x1a: {  	s29 =	simm.s32 $0x1900;
	s31 =	simm.s32 $0x0;
	s28 =	rddreg [dreg:$0x9]  }
0x1b: {  	[tilespmem:s29], [sflag:$0x3] =	stream.linear.gather [hbm4b:s28+s5], $0xC80, $0x38;
	[tilespmem:$0x1CE00] =	vst v63  }
.LBB2_2:
0x1c: {  	_ =	swait.ge [sflag:s17], $0xC80  }
0x1d: {  	s3 =	sshll.u32 s31, $0x6;
	s0 =	rddreg [dreg:$0x5]  }
0x1e: {  	[sflag:s17] =	ssyncset.done $0x0;
	s7 =	sor.u32 s0, s3  }
0x1f: {  	[sflag:s17] =	ssyncadd.s32 $0xFFFFF380;
	s0 =	sor.u32 $0x20, s7  }
0x20: {  	_ =	swait.ge [sflag:s18], $0xC80;
	s0 =	smin.u32 s0, $0x3E7  }
0x21: {  	[sflag:s18] =	ssyncset.done $0x0;
	s1 =	smul.u32 $0x190, s0  }
0x22: {  	[sflag:s18] =	ssyncadd.s32 $0xFFFFF380  }
0x23: {  	s4 =	simm.s32 $0xC80;
	s10 =	rddreg [dreg:$0x1];
	s2 =	sadd.s32 s30, s1  }
0x24: {  	[tilespmem:s4], [sflag:$0x2] =	stream.linear.gather [hbm4b:s2+s5], $0xC80, $0x38;
	[tilespmem:$0x1CE00] =	vst v63  }
0x25: {  	s11 =	simm.s32 $0x2580;
	p0 =	seq.s32 s31, $0x0;
	s1 =	sadd.s32 s10, s1  }
0x26: {  	[tilespmem:s11], [sflag:$0x4] =	stream.linear.gather [hbm4b:s1+s5], $0xC80, $0x38;
	[tilespmem:$0x1CE00] =	vst v63  }
0x27: {  	s1 =	simm.s32 @!p0 $0x5  }
0x28: {  	_ =	swait.ge @!p0 [sflag:s1], $0xC800  }
0x29: {  	[sflag:s1] =	ssyncset.done @!p0 $0x0  }
0x2a: {  	s10 =	simm.s32 $0x0;
	[sflag:s1] =	ssyncadd.s32 @!p0 $0xFFFF3800  }
0x2b: {  	v10 =	vld [tilespmem:s10+$0x0];
	_ =	sdelay $0x4  }
0x2c: {  	v1 =	vand.u32 $0x7FFFFF, v10  }
0x2d: {  	v1 =	vor.u32 $0x3F800000, v1  }
0x2e: {  	s16 =	sand.u32 $0x60, s10;
	v2 =	vmul.f32 $5.000000000e-01, v1  }
0x2f: {  	s12 =	sand.u32 $0xF80, s10;
	s29 =	sor.u32 $0x10, s16;
	vm1 =	vgt.f32 v1, $1.414213540e+00  }
0x30: {  	s1 =	sor.u32 s12, s29;
	v1 =	vsel vm1, v2, v1  }
0x31: {  	v4 =	vld [tilespmem:s1+$0x0];
	v2 =	vadd.f32 $1.000000000e+00, v1;
	_ =	sdelay $0x1  }
0x32: {  	(erf) = vrcp.f32 v2;
	_ =	sdelay $0x2  }
0x33: {  	v2 =	vand.u32 $0x7FFFFF, v4  }
0x34: {  	v2 =	vor.u32 $0x3F800000, v2  }
0x35: {  	v3 =	vmul.f32 $5.000000000e-01, v2;
	_ =	sdelay $0x1  }
0x36: {  	vm0 =	vgt.f32 v2, $1.414213540e+00  }
0x37: {  	v1 =	vadd.f32 $-1.000000000e+00, v1;
	v2 =	vsel vm0, v3, v2  }
0x38: {  	v5 =	vadd.f32 $1.000000000e+00, v2;
	v3 =	vpop (erf)  }
0x39: {  	v1 =	vmul.f32 v3, v1  }
0x3a: {  	(erf) = vrcp.f32 v5  }
0x3b: {  	v3 =	vmul.f32 v1, v1;
	_ =	sdelay $0x1  }
0x3c: {  	s14 =	simm.s32 $0x1900;
	v5 =	vmul.f32 $2.222222240e-01, v3  }
0x3d: {  	v12 =	vld [tilespmem:s14+$0x0]  }
0x3e: {  	v5 =	vadd.f32 $2.857142980e-01, v5;
	_ =	sdelay $0x1  }
0x3f: {  	v5 =	vmul.f32 v5, v3  }
0x40: {  	v2 =	vadd.f32 $-1.000000000e+00, v2  }
0x41: {  	v6 =	vadd.s32 $0x5E, v12;
	v7 =	vpop (erf);
	v5 =	vadd.f32 $4.000000060e-01, v5  }
0x42: {  	v8 =	vadd.s32 $0xBC, v12;
	v2 =	vmul.f32 v7, v2  }
0x43: {  	v14 =	vadd.s32 $0x178, v12;
	v5 =	vmul.f32 v5, v3  }
0x44: {  	v15 =	vmul.f32 v2, v2  }
0x45: {  	v9 =	vadd.s32 $0x11A, v12;
	v11 =	vld.idx.msk [tilespmem:v12+s13+$0x0], $0xffff;
	v5 =	vadd.f32 $6.666666860e-01, v5  }
0x46: {  	v13 =	vld.idx.msk [tilespmem:v6+s13+$0x0], $0xffff;
	v7 =	vmul.f32 $2.222222240e-01, v15  }
0x47: {  	v18 =	vshra.s32 v10, $0x17;
	v17 =	vsel vm1, $0xFFFFFF82, v0;
	v16 =	vld.idx.msk [tilespmem:v8+s13+$0x0], $0xffff;
	v3 =	vmul.f32 v5, v3  }
0x48: {  	v5 =	vadd.s32 v18, v17;
	v17 =	vld.idx.msk [tilespmem:v14+s13+$0x0], $0xffff;
	v18 =	vadd.f32 $2.857142980e-01, v7  }
0x49: {  	v7 =	vld [tilespmem:s1+$0x1900];
	v5 =	vcvt.s32.f32 v5;
	v3 =	vadd.f32 $2.000000000e+00, v3  }
0x4a: {  	v19 =	vld.idx.msk [tilespmem:v9+s13+$0x0], $0xffff;
	v11 =	vmul.f32 v11, v10;
	v18 =	vmul.f32 v18, v15  }
0x4b: {  	v5 =	vmul.f32 $6.931471820e-01, v5;
	v1 =	vmul.f32 v3, v1  }
0x4c: {  	v24 =	vshra.s32 v4, $0x17;
	v11 =	vsub.f32 $0.0e+00, v11;
	v18 =	vadd.f32 $4.000000060e-01, v18  }
0x4d: {  	v16 =	vmul.f32 v16, v10;
	v3 =	vmul.f32 v13, v10;
	v13 =	vadd.f32 v1, v5  }
0x4e: {  	v1 =	vmul.f32 v17, v10;
	v5 =	vadd.s32 $0x5E, v7;
	v17 =	vmul.f32 v18, v15  }
0x4f: {  	v19 =	vmul.f32 v19, v10;
	v11 =	vmul.f32 $1.442695020e+00, v11;
	v20 =	vadd.s32 $0xBC, v7  }
0x50: {  	v22 =	vadd.s32 $0x178, v7;
	v18 =	vsub.f32 v13, v3;
	v17 =	vadd.f32 $6.666666860e-01, v17  }
0x51: {  	(erf) = vpow2.f32 v11;
	v21 =	vadd.s32 $0x11A, v7;
	v16 =	vsub.f32 v13, v16  }
0x52: {  	v25 =	vsel vm0, $0xFFFFFF82, v0;
	v23 =	vld.idx.msk [tilespmem:v7+s13+$0x0], $0xffff;
	v18 =	vmul.f32 $1.442695020e+00, v18;
	v15 =	vmul.f32 v17, v15  }
0x53: {  	v3 =	vadd.f32 v13, v13;
	v11 =	vmul.f32 $1.442695020e+00, v16;
	v17 =	vadd.s32 v24, v25;
	v16 =	vld.idx.msk [tilespmem:v5+s13+$0x0], $0xffff  }
0x54: {  	v17 =	vcvt.s32.f32 v17;
	(erf) = vpow2.f32 v18;
	v18 =	vld.idx.msk [tilespmem:v20+s13+$0x0], $0xffff;
	v15 =	vadd.f32 $2.000000000e+00, v15  }
0x55: {  	v19 =	vsub.f32 v3, v19;
	v25 =	vld.idx.msk [tilespmem:v22+s13+$0x0], $0xffff;
	(erf) = vpow2.f32 v11  }
0x56: {  	v24 =	vld.idx.msk [tilespmem:v21+s13+$0x0], $0xffff;
	v1 =	vsub.f32 v3, v1;
	v11 =	vmul.f32 $6.931471820e-01, v17;
	v2 =	vmul.f32 v15, v2  }
0x57: {  	v17 =	vmul.f32 v23, v4;
	v15 =	vmul.f32 $1.442695020e+00, v19  }
0x58: {  	v19 =	vmul.f32 $1.442695020e+00, v1;
	v11 =	vadd.f32 v2, v11;
	v1 =	vmul.f32 v16, v4  }
0x59: {  	(erf) = vpow2.f32 v15;
	v2 =	vsub.f32 $0.0e+00, v17;
	v15 =	vmul.f32 v18, v4  }
0x5a: {  	v23 =	vmul.f32 v25, v4;
	v17 =	vadd.f32 v11, v11;
	v16 =	vsub.f32 v11, v1  }
0x5b: {  	s12 =	simm.s32 $0x20;
	v18 =	vmul.f32 v24, v4;
	v2 =	vmul.f32 $1.442695020e+00, v2;
	v15 =	vsub.f32 v11, v15  }
0x5c: {  	(erf) = vpow2.f32 v19;
	v1 =	vld [tilespmem:s12+$0x0];
	v16 =	vmul.f32 $1.442695020e+00, v16;
	v19 =	vsub.f32 v17, v23  }
0x5d: {  	v18 =	vsub.f32 v17, v18;
	(erf) = vpow2.f32 v2;
	v15 =	vmul.f32 $1.442695020e+00, v15  }
0x5e: {  	(erf) = vpow2.f32 v16;
	v16 =	vmul.f32 $1.442695020e+00, v19  }
0x5f: {  	v2 =	vmul.f32 $1.442695020e+00, v18  }
0x60: {  	(erf) = vpow2.f32 v15  }
0x61: {  	v9 =	vld.idx.msk [tilespmem:v9+s15+$0x0], $0xffff;
	(erf) = vpow2.f32 v2;
	v2 =	vand.u32 $0x7FFFFF, v1;
	v15 =	vpop (erf)  }
0x62: {  	v18 =	vld.idx.msk [tilespmem:v7+s15+$0x0], $0xffff;
	(erf) = vpow2.f32 v16;
	v2 =	vor.u32 $0x3F800000, v2;
	v16 =	vpop (erf)  }
0x63: {  	v5 =	vld.idx.msk [tilespmem:v5+s15+$0x0], $0xffff;
	v19 =	vmul.f32 $5.000000000e-01, v2;
	v23 =	vpop (erf)  }
0x64: {  	v6 =	vld.idx.msk [tilespmem:v6+s15+$0x0], $0xffff;
	vm14 =	vgt.f32 v2, $1.414213540e+00;
	v24 =	vpop (erf)  }
0x65: {  	v20 =	vld.idx.msk [tilespmem:v20+s15+$0x0], $0xffff;
	v19 =	vsel vm14, v19, v2;
	v25 =	vpop (erf)  }
0x66: {  	v2 =	vld.idx.msk [tilespmem:v21+s15+$0x0], $0xffff;
	v21 =	vadd.f32 $1.000000000e+00, v19;
	v26 =	vpop (erf)  }
0x67: {  	v8 =	vld.idx.msk [tilespmem:v8+s15+$0x0], $0xffff;
	s1 =	sand.u32 $0x7C00, s10;
	v18 =	vmul.f32 v18, v26;
	v26 =	vpop (erf)  }
0x68: {  	s19 =	sadd.s32 $0x3E00, s1;
	v22 =	vld.idx.msk [tilespmem:v22+s15+$0x0], $0xffff;
	v9 =	vmul.f32 v24, v9;
	v5 =	vmul.f32 v26, v5  }
0x69: {  	v14 =	vld.idx.msk [tilespmem:v14+s15+$0x0], $0xffff;
	s2 =	sor.u32 s16, s19  }
0x6a: {  	s6 =	sor.u32 s29, s19;
	(erf) = vrcp.f32 v21;
	v26 =	vld.idx.msk [tilespmem:v12+s15+$0x0], $0xffff;
	[tilespmem:s2+$0x180] =	vst v9;
	v21 =	vpop (erf)  }
0x6b: {  	[tilespmem:s6+$0x0] =	vst v18;
	v18 =	vmul.f32 v21, v20;
	v20 =	vadd.s32 $0x1D6, v7;
	v21 =	vpop (erf)  }
0x6c: {  	[tilespmem:s6+$0x80] =	vst v5;
	v2 =	vmul.f32 v21, v2;
	v21 =	vadd.s32 $0x234, v7;
	v5 =	vpop (erf)  }
0x6d: {  	v24 =	vadd.s32 $0x34E, v7;
	[tilespmem:s6+$0x100] =	vst v18;
	v5 =	vmul.f32 v5, v22  }
0x6e: {  	s28 =	simm.s32 $0x1920;
	v14 =	vmul.f32 v25, v14;
	v18 =	vadd.s32 $0x292, v7;
	[tilespmem:s6+$0x180] =	vst v2  }
0x6f: {  	v22 =	vadd.s32 $0x2F0, v7;
	v2 =	vld [tilespmem:s28+$0x0];
	[tilespmem:s6+$0x200] =	vst v5  }
0x70: {  	v25 =	vadd.s32 $0x1D6, v12;
	[tilespmem:s2+$0x200] =	vst v14;
	v14 =	vadd.f32 $-1.000000000e+00, v19;
	v19 =	vmul.f32 v26, v15;
	v9 =	vld.idx.msk [tilespmem:v20+s13+$0x0], $0xffff  }
0x71: {  	v5 =	vmul.f32 v16, v6;
	v6 =	vmul.f32 v23, v8;
	v8 =	vld.idx.msk [tilespmem:v21+s13+$0x0], $0xffff  }
0x72: {  	[tilespmem:s2+$0x0] =	vst v19;
	v19 =	vld.idx.msk [tilespmem:v24+s13+$0x0], $0xffff  }
0x73: {  	[tilespmem:s2+$0x80] =	vst v5;
	v23 =	vld.idx.msk [tilespmem:v18+s13+$0x0], $0xffff  }
0x74: {  	[tilespmem:s2+$0x100] =	vst v6;
	v28 =	vld.idx.msk [tilespmem:v22+s13+$0x0], $0xffff  }
0x75: {  	v27 =	vadd.s32 $0x292, v12;
	v34 =	vmul.f32 $2.700000050e+00, v13;
	v13 =	vmul.f32 $3.000000000e+00, v13;
	v30 =	vld.idx.msk [tilespmem:v25+s13+$0x0], $0xffff  }
0x76: {  	v32 =	vmul.f32 $2.700000050e+00, v11;
	v26 =	vadd.s32 $0x234, v12;
	v15 =	vadd.s32 $0x2F0, v12;
	v5 =	vpop (erf)  }
0x77: {  	v6 =	vadd.s32 $0x5E, v2;
	v16 =	vmul.f32 v5, v14;
	v9 =	vmul.f32 v9, v4  }
0x78: {  	v14 =	vadd.s32 $0x34E, v12;
	v8 =	vmul.f32 v8, v4;
	v19 =	vmul.f32 v19, v4  }
0x79: {  	v31 =	vmul.f32 v16, v16;
	v9 =	vsub.f32 v17, v9;
	v17 =	vmul.f32 v23, v4  }
0x7a: {  	v35 =	vld.idx.msk [tilespmem:v27+s13+$0x0], $0xffff;
	v8 =	vsub.f32 v32, v8;
	v28 =	vmul.f32 v28, v4;
	v30 =	vmul.f32 v30, v10  }
0x7b: {  	v36 =	vld.idx.msk [tilespmem:v15+s13+$0x0], $0xffff;
	v19 =	vsub.f32 v32, v19;
	v33 =	vmul.f32 $2.222222240e-01, v31;
	v17 =	vsub.f32 v32, v17  }
0x7c: {  	s8 =	sand.u32 $0x60, s12;
	v23 =	vld.idx.msk [tilespmem:v26+s13+$0x0], $0xffff;
	v9 =	vmul.f32 $1.442695020e+00, v9;
	v28 =	vsub.f32 v32, v28;
	v37 =	vmul.f32 $1.442695020e+00, v8  }
0x7d: {  	s20 =	sand.u32 $0xF80, s12;
	s9 =	sor.u32 $0x10, s8;
	v38 =	vld.idx.msk [tilespmem:v14+s13+$0x0], $0xffff;
	v30 =	vsub.f32 v3, v30;
	v19 =	vmul.f32 $1.442695020e+00, v19;
	v17 =	vmul.f32 $1.442695020e+00, v17  }
0x7e: {  	s4 =	sor.u32 s20, s9;
	(erf) = vpow2.f32 v9;
	v28 =	vmul.f32 $1.442695020e+00, v28  }
0x7f: {  	v29 =	vshra.s32 v1, $0x17;
	v3 =	vld [tilespmem:s4+$0x0];
	v30 =	vmul.f32 $1.442695020e+00, v30;
	(erf) = vpow2.f32 v37  }
0x80: {  	v5 =	vadd.s32 $0xBC, v2;
	v37 =	vmul.f32 v36, v10;
	(erf) = vpow2.f32 v17  }
0x81: {  	v8 =	vadd.s32 $0x11A, v2;
	v17 =	vmul.f32 v23, v10;
	(erf) = vpow2.f32 v28  }
0x82: {  	v43 =	vld.idx.msk [tilespmem:v6+s13+$0x0], $0xffff;
	v23 =	vsel vm14, $0xFFFFFF82, v0;
	v28 =	vmul.f32 v35, v10;
	v38 =	vmul.f32 v38, v10  }
0x83: {  	v32 =	vsub.f32 v34, v37;
	(erf) = vpow2.f32 v19;
	v17 =	vsub.f32 v34, v17  }
0x84: {  	v20 =	vld.idx.msk [tilespmem:v20+s15+$0x0], $0xffff;
	v23 =	vadd.s32 v29, v23;
	v29 =	vand.u32 $0x7FFFFF, v3;
	v19 =	vadd.f32 $2.857142980e-01, v33  }
0x85: {  	v21 =	vld.idx.msk [tilespmem:v21+s15+$0x0], $0xffff;
	v29 =	vor.u32 $0x3F800000, v29;
	v23 =	vcvt.s32.f32 v23;
	v17 =	vmul.f32 $1.442695020e+00, v17  }
0x86: {  	v18 =	vld.idx.msk [tilespmem:v18+s15+$0x0], $0xffff;
	v28 =	vsub.f32 v34, v28;
	(erf) = vpow2.f32 v30;
	v30 =	vmul.f32 $1.442695020e+00, v32  }
0x87: {  	s11 =	sand.u32 $0x3, s10;
	v22 =	vld.idx.msk [tilespmem:v22+s15+$0x0], $0xffff;
	v9 =	vadd.s32 $0x178, v2;
	v40 =	vmul.f32 $5.000000000e-01, v29;
	v32 =	vmul.f32 v43, v1  }
0x88: {  	s11 =	sshll.u32 s11, $0x5;
	v24 =	vld.idx.msk [tilespmem:v24+s15+$0x0], $0xffff;
	v33 =	vsub.f32 v34, v38;
	v19 =	vmul.f32 v19, v31;
	v28 =	vmul.f32 $1.442695020e+00, v28;
	v39 =	vpop (erf)  }
0x89: {  	s11 =	sadd.s32 $0x0, s11;
	v25 =	vld.idx.msk [tilespmem:v25+s15+$0x0], $0xffff;
	vm15 =	vgt.f32 v29, $1.414213540e+00;
	(erf) = vpow2.f32 v17;
	v17 =	vpop (erf);
	v20 =	vmul.f32 v39, v20  }
0x8a: {  	s14 =	sadd.s32 $0x10, s11;
	v27 =	vld.idx.msk [tilespmem:v27+s15+$0x0], $0xffff;
	v29 =	vsel vm15, v40, v29;
	v19 =	vadd.f32 $4.000000060e-01, v19;
	v41 =	vpop (erf);
	v17 =	vmul.f32 v17, v21  }
0x8b: {  	s19 =	sor.u32 $0x300, s14;
	v42 =	vld.idx.msk [tilespmem:v2+s13+$0x0], $0xffff;
	v44 =	vadd.f32 $1.000000000e+00, v29;
	v18 =	vmul.f32 v41, v18;
	v21 =	vpop (erf);
	[tilespmem:s6+$0x280] =	vst v20;
	v20 =	vadd.s32 $0x3AC, v7  }
0x8c: {  	s21 =	sor.u32 $0x380, s14;
	v45 =	vld.idx.msk [tilespmem:v9+s13+$0x0], $0xffff;
	v19 =	vmul.f32 v19, v31;
	s6 =	sadd.s32 $0xA200, s1;
	v21 =	vmul.f32 v22, v21;
	v22 =	vpop (erf);
	[tilespmem:s19+$0x3E00] =	vst v17;
	v17 =	vadd.s32 $0x40A, v7  }
0x8d: {  	s14 =	sadd.s32 $0xA280, s1;
	v26 =	vld.idx.msk [tilespmem:v26+s15+$0x0], $0xffff;
	(erf) = vpow2.f32 v28;
	s23 =	sor.u32 s29, s6;
	v22 =	vmul.f32 v24, v22;
	[tilespmem:s21+$0x3E00] =	vst v18;
	v18 =	vadd.s32 $0x468, v7  }
0x8e: {  	s26 =	sor.u32 s29, s14;
	v28 =	vld.idx.msk [tilespmem:v8+s13+$0x0], $0xffff;
	v19 =	vadd.f32 $6.666666860e-01, v19;
	(erf) = vrcp.f32 v44;
	[tilespmem:s23+$0x0] =	vst v21;
	v21 =	vadd.s32 $0x4C6, v7  }
0x8f: {  	v23 =	vmul.f32 $6.931471820e-01, v23;
	v33 =	vmul.f32 $1.442695020e+00, v33;
	v24 =	vld.idx.msk [tilespmem:v5+s13+$0x0], $0xffff;
	[tilespmem:s26+$0x0] =	vst v22;
	v22 =	vadd.s32 $0x524, v7  }
0x90: {  	(erf) = vpow2.f32 v30;
	v19 =	vmul.f32 v19, v31;
	v30 =	vld.idx.msk [tilespmem:v20+s13+$0x0], $0xffff  }
0x91: {  	v34 =	vmul.f32 v45, v1;
	v46 =	vpop (erf);
	v7 =	vmul.f32 v42, v1;
	v47 =	vld.idx.msk [tilespmem:v17+s13+$0x0], $0xffff  }
0x92: {  	v25 =	vmul.f32 v46, v25;
	(erf) = vpow2.f32 v33;
	v19 =	vadd.f32 $2.000000000e+00, v19;
	v48 =	vpop (erf);
	v49 =	vld.idx.msk [tilespmem:v18+s13+$0x0], $0xffff  }
0x93: {  	v28 =	vmul.f32 v28, v1;
	v7 =	vsub.f32 $0.0e+00, v7;
	v26 =	vmul.f32 v48, v26;
	v31 =	vld.idx.msk [tilespmem:v21+s13+$0x0], $0xffff  }
0x94: {  	v16 =	vmul.f32 v19, v16;
	v24 =	vmul.f32 v24, v1;
	v50 =	vld.idx.msk [tilespmem:v22+s13+$0x0], $0xffff  }
0x95: {  	v51 =	vmul.f32 $1.442695020e+00, v7;
	v7 =	vmul.f32 $3.000000000e+00, v11  }
0x96: {  	v19 =	vadd.f32 $-1.000000000e+00, v29;
	v11 =	vmul.f32 v30, v4;
	v30 =	vpop (erf);
	v29 =	vmul.f32 v47, v4  }
0x97: {  	v52 =	vadd.s32 $0x3AC, v12;
	v53 =	vpop (erf);
	v27 =	vmul.f32 v30, v27;
	v30 =	vmul.f32 v49, v4  }
0x98: {  	v11 =	vsub.f32 v7, v11;
	v19 =	vmul.f32 v53, v19;
	v31 =	vmul.f32 v31, v4  }
0x99: {  	v29 =	vsub.f32 v7, v29;
	v30 =	vsub.f32 v7, v30;
	v4 =	vmul.f32 v50, v4  }
0x9a: {  	v15 =	vld.idx.msk [tilespmem:v15+s15+$0x0], $0xffff;
	v11 =	vmul.f32 $1.442695020e+00, v11;
	v33 =	vmul.f32 v19, v19;
	v31 =	vsub.f32 v7, v31  }
0x9b: {  	v54 =	vadd.s32 $0x40A, v12;
	v29 =	vmul.f32 $1.442695020e+00, v29;
	v30 =	vmul.f32 $1.442695020e+00, v30  }
0x9c: {  	v14 =	vld.idx.msk [tilespmem:v14+s15+$0x0], $0xffff;
	v7 =	vsub.f32 v7, v4;
	(erf) = vpow2.f32 v11;
	v11 =	vmul.f32 $1.442695020e+00, v31  }
0x9d: {  	s20 =	sor.u32 $0x300, s11;
	[tilespmem:s2+$0x280] =	vst v25;
	v4 =	vadd.f32 v16, v23;
	(erf) = vpow2.f32 v29;
	v29 =	vmul.f32 $2.222222240e-01, v33  }
0x9e: {  	[tilespmem:s20+$0x3E00] =	vst v26;
	v26 =	vadd.s32 $0x4C6, v12;
	v23 =	vpop (erf);
	v16 =	vmul.f32 $1.442695020e+00, v7;
	(erf) = vpow2.f32 v30  }
0x9f: {  	v15 =	vmul.f32 v15, v23;
	v7 =	vld [tilespmem:s4+$0x1900];
	v31 =	vsub.f32 v4, v32;
	(erf) = vpow2.f32 v11  }
0xa0: {  	v23 =	vadd.f32 $2.857142980e-01, v29;
	v11 =	vpop (erf);
	(erf) = vpow2.f32 v16;
	v16 =	vld.idx.msk [tilespmem:v20+s15+$0x0], $0xffff;
	v20 =	vsub.f32 v4, v24  }
0xa1: {  	s21 =	sor.u32 $0x380, s11;
	v17 =	vld.idx.msk [tilespmem:v17+s15+$0x0], $0xffff;
	v24 =	vmul.f32 $1.442695020e+00, v31;
	v14 =	vmul.f32 v14, v11;
	v11 =	vadd.f32 v4, v4  }
0xa2: {  	s23 =	sor.u32 s16, s6;
	v25 =	vld.idx.msk [tilespmem:v18+s15+$0x0], $0xffff;
	[tilespmem:s21+$0x3E00] =	vst v27;
	v30 =	vadd.s32 $0x468, v12;
	v18 =	vmul.f32 $1.442695020e+00, v20;
	v20 =	vmul.f32 v23, v33  }
0xa3: {  	s26 =	sor.u32 s16, s14;
	v12 =	vadd.s32 $0x524, v12;
	[tilespmem:s23+$0x0] =	vst v15;
	v15 =	vld.idx.msk [tilespmem:v21+s15+$0x0], $0xffff;
	(erf) = vpow2.f32 v51;
	v21 =	vsub.f32 v11, v28  }
0xa4: {  	(erf) = vpow2.f32 v24;
	[tilespmem:s26+$0x0] =	vst v14;
	v14 =	vld.idx.msk [tilespmem:v22+s15+$0x0], $0xffff;
	v22 =	vsub.f32 v11, v34;
	v20 =	vadd.f32 $4.000000060e-01, v20  }
0xa5: {  	v23 =	vpop (erf);
	(erf) = vpow2.f32 v18;
	v24 =	vld.idx.msk [tilespmem:v52+s13+$0x0], $0xffff;
	v18 =	vadd.s32 $0x5E, v7;
	v27 =	vmul.f32 $1.442695020e+00, v21  }
0xa6: {  	v28 =	vpop (erf);
	v16 =	vmul.f32 v16, v23;
	v21 =	vadd.s32 $0xBC, v7;
	v20 =	vmul.f32 v20, v33  }
0xa7: {  	v29 =	vld.idx.msk [tilespmem:v54+s13+$0x0], $0xffff;
	v23 =	vpop (erf);
	v17 =	vmul.f32 v17, v28;
	v28 =	vmul.f32 $1.442695020e+00, v22;
	v22 =	vadd.s32 $0x11A, v7  }
0xa8: {  	s4 =	sadd.s32 $0xA300, s1;
	v55 =	vld.idx.msk [tilespmem:v30+s13+$0x0], $0xffff;
	v31 =	vpop (erf);
	v23 =	vmul.f32 v25, v23;
	v25 =	vadd.s32 $0x178, v7;
	(erf) = vpow2.f32 v27  }
0xa9: {  	s19 =	sor.u32 s29, s4;
	v56 =	vld.idx.msk [tilespmem:v26+s13+$0x0], $0xffff;
	v27 =	vshra.s32 v3, $0x17;
	v20 =	vadd.f32 $6.666666860e-01, v20;
	v57 =	vmul.f32 v15, v31  }
0xaa: {  	s11 =	sadd.s32 $0xA380, s1;
	v58 =	vld.idx.msk [tilespmem:v12+s13+$0x0], $0xffff;
	[tilespmem:s19+$0x0] =	vst v16;
	v31 =	vsel vm15, $0xFFFFFF82, v0;
	(erf) = vpow2.f32 v28;
	v15 =	vpop (erf);
	v24 =	vmul.f32 v24, v10  }
0xab: {  	s20 =	sor.u32 s29, s11;
	v27 =	vadd.s32 v27, v31;
	v14 =	vmul.f32 v14, v15;
	v15 =	vld.idx.msk [tilespmem:v7+s13+$0x0], $0xffff;
	v20 =	vmul.f32 v20, v33  }
0xac: {  	s21 =	sadd.s32 $0xA400, s1;
	[tilespmem:s20+$0x0] =	vst v17;
	v16 =	vld.idx.msk [tilespmem:v18+s13+$0x0], $0xffff;
	v17 =	vcvt.s32.f32 v27;
	v27 =	vmul.f32 v29, v10  }
0xad: {  	s23 =	sor.u32 s29, s21;
	v59 =	vld.idx.msk [tilespmem:v21+s13+$0x0], $0xffff;
	v31 =	vsub.f32 v13, v24;
	v24 =	vmul.f32 v55, v10;
	v20 =	vadd.f32 $2.000000000e+00, v20  }
0xae: {  	s26 =	sadd.s32 $0xA480, s1;
	[tilespmem:s23+$0x0] =	vst v23;
	v29 =	vmul.f32 v56, v10;
	v39 =	vld.idx.msk [tilespmem:v22+s13+$0x0], $0xffff;
	v23 =	vmul.f32 $6.931471820e-01, v17;
	v28 =	vsub.f32 v13, v27  }
0xaf: {  	s1 =	sadd.s32 $0xA500, s1;
	s20 =	sor.u32 s29, s26;
	v40 =	vld.idx.msk [tilespmem:v25+s13+$0x0], $0xffff;
	v27 =	vsub.f32 v13, v24;
	v24 =	vmul.f32 v58, v10;
	v20 =	vmul.f32 v20, v19  }
0xb0: {  	s23 =	sor.u32 s16, s21;
	s21 =	sor.u32 s29, s1;
	[tilespmem:s20+$0x0] =	vst v57;
	v17 =	vld.idx.msk [tilespmem:v52+s15+$0x0], $0xffff;
	v29 =	vsub.f32 v13, v29;
	v60 =	vmul.f32 v15, v3  }
0xb1: {  	[tilespmem:s21+$0x0] =	vst v14;
	v14 =	vld.idx.msk [tilespmem:v12+s15+$0x0], $0xffff;
	v19 =	vpop (erf);
	v61 =	vmul.f32 v16, v3;
	v10 =	vadd.f32 v20, v23  }
0xb2: {  	s22 =	smov.u32 s30;
	s30 =	simm.s32 $0x40;
	v16 =	vld.idx.msk [tilespmem:v30+s15+$0x0], $0xffff;
	v63 =	vmul.f32 v59, v3;
	v30 =	vsub.f32 v13, v24;
	v23 =	vpop (erf);
	v62 =	vsub.f32 $0.0e+00, v60  }
0xb3: {  	s14 =	simm.s32 $0x2;
	s19 =	sor.u32 s16, s11;
	s26 =	sor.u32 s16, s26;
	v15 =	vld.idx.msk [tilespmem:v54+s15+$0x0], $0xffff;
	v33 =	vmul.f32 v39, v3;
	v24 =	vpop (erf);
	v20 =	vadd.f32 v10, v10;
	v32 =	vsub.f32 v10, v61  }
0xb4: {  	s29 =	simm.s32 $0x0;
	s20 =	sor.u32 s16, s4;
	s16 =	sor.u32 s16, s1;
	v13 =	vld.idx.msk [tilespmem:v26+s15+$0x0], $0xffff;
	v36 =	vmul.f32 v40, v3;
	v26 =	vpop (erf);
	v34 =	vsub.f32 v10, v63;
	v35 =	vmul.f32 $1.442695020e+00, v62  }
.LBB2_3:
0xb5: {  	v12 =	vld [tilespmem:s30+$0x0];
	v33 =	vsub.f32 v20, v33;
	v32 =	vmul.f32 $1.442695020e+00, v32;
	v37 =	vpop (erf);
	v31 =	vmul.f32 $1.442695020e+00, v31  }
0xb6: {  	v36 =	vsub.f32 v20, v36;
	v34 =	vmul.f32 $1.442695020e+00, v34;
	(erf) = vpow2.f32 v35  }
0xb7: {  	v33 =	vmul.f32 $1.442695020e+00, v33;
	(erf) = vpow2.f32 v32  }
0xb8: {  	v32 =	vmul.f32 $1.442695020e+00, v36;
	(erf) = vpow2.f32 v34  }
0xb9: {  	v28 =	vmul.f32 $1.442695020e+00, v28;
	(erf) = vpow2.f32 v33  }
0xba: {  	v27 =	vmul.f32 $1.442695020e+00, v27;
	v33 =	vand.u32 $0x7FFFFF, v12;
	v34 =	vld.idx.msk [tilespmem:v7+s15+$0x0], $0xffff;
	(erf) = vpow2.f32 v32  }
0xbb: {  	v29 =	vmul.f32 $1.442695020e+00, v29;
	v30 =	vmul.f32 $1.442695020e+00, v30;
	v32 =	vor.u32 $0x3F800000, v33;
	v18 =	vld.idx.msk [tilespmem:v18+s15+$0x0], $0xffff  }
0xbc: {  	v33 =	vmul.f32 $5.000000000e-01, v32;
	v21 =	vld.idx.msk [tilespmem:v21+s15+$0x0], $0xffff;
	(erf) = vpow2.f32 v31  }
0xbd: {  	vm0 =	vgt.f32 v32, $1.414213540e+00;
	v22 =	vld.idx.msk [tilespmem:v22+s15+$0x0], $0xffff;
	(erf) = vpow2.f32 v28  }
0xbe: {  	s10 =	sadd.s32 $0x100, s10;
	v28 =	vsel vm0, v33, v32;
	v25 =	vld.idx.msk [tilespmem:v25+s15+$0x0], $0xffff;
	(erf) = vpow2.f32 v27  }
0xbf: {  	s1 =	sand.u32 $0x7C00, s10;
	v32 =	vadd.f32 $1.000000000e+00, v28;
	v8 =	vld.idx.msk [tilespmem:v8+s15+$0x0], $0xffff;
	v31 =	vpop (erf);
	(erf) = vpow2.f32 v29  }
0xc0: {  	s2 =	sadd.s32 $0x3E00, s1;
	v9 =	vld.idx.msk [tilespmem:v9+s15+$0x0], $0xffff;
	v33 =	vmul.f32 v34, v31;
	v31 =	vpop (erf);
	(erf) = vpow2.f32 v30  }
0xc1: {  	s6 =	sor.u32 s8, s2;
	s11 =	sor.u32 s9, s2;
	(erf) = vrcp.f32 v32;
	v6 =	vld.idx.msk [tilespmem:v6+s15+$0x0], $0xffff;
	v18 =	vmul.f32 v31, v18;
	v27 =	vpop (erf)  }
0xc2: {  	v5 =	vld.idx.msk [tilespmem:v5+s15+$0x0], $0xffff;
	[tilespmem:s11+$0x0] =	vst v33;
	v21 =	vmul.f32 v27, v21;
	v27 =	vadd.s32 $0x1D6, v7;
	v29 =	vpop (erf)  }
0xc3: {  	v30 =	vld.idx.msk [tilespmem:v2+s15+$0x0], $0xffff;
	[tilespmem:s11+$0x80] =	vst v18;
	v18 =	vmul.f32 v29, v22;
	v22 =	vadd.s32 $0x234, v7;
	v29 =	vpop (erf)  }
0xc4: {  	[tilespmem:s11+$0x100] =	vst v21;
	v21 =	vmul.f32 v29, v25;
	v25 =	vadd.s32 $0x292, v7  }
0xc5: {  	s28 =	sadd.s32 $0x20, s28;
	v8 =	vmul.f32 v26, v8;
	v26 =	vadd.s32 $0x1D6, v2;
	v29 =	vadd.s32 $0x2F0, v7;
	[tilespmem:s11+$0x180] =	vst v18;
	v31 =	vpop (erf)  }
0xc6: {  	v9 =	vmul.f32 v37, v9;
	v18 =	vld [tilespmem:s28+$0x0];
	[tilespmem:s11+$0x200] =	vst v21;
	v21 =	vadd.s32 $0x34E, v7;
	v17 =	vmul.f32 v17, v31;
	v31 =	vpop (erf)  }
0xc7: {  	v33 =	vmul.f32 v23, v6;
	v23 =	vadd.s32 $0x234, v2;
	[tilespmem:s6+$0x180] =	vst v8;
	v8 =	vld.idx.msk [tilespmem:v27+s13+$0x0], $0xffff;
	v31 =	vmul.f32 v15, v31;
	v15 =	vpop (erf)  }
0xc8: {  	v5 =	vmul.f32 v24, v5;
	[tilespmem:s6+$0x200] =	vst v9;
	v9 =	vadd.s32 $0x292, v2;
	v24 =	vld.idx.msk [tilespmem:v22+s13+$0x0], $0xffff;
	v16 =	vmul.f32 v16, v15;
	v15 =	vpop (erf)  }
0xc9: {  	v28 =	vadd.f32 $-1.000000000e+00, v28;
	v19 =	vmul.f32 v30, v19;
	[tilespmem:s6+$0x80] =	vst v33;
	v30 =	vld.idx.msk [tilespmem:v25+s13+$0x0], $0xffff;
	v32 =	vmul.f32 v13, v15;
	v6 =	vpop (erf)  }
0xca: {  	v33 =	vadd.s32 $0x2F0, v2;
	v13 =	vpop (erf);
	[tilespmem:s6+$0x100] =	vst v5;
	v34 =	vld.idx.msk [tilespmem:v29+s13+$0x0], $0xffff;
	v14 =	vmul.f32 v14, v6  }
0xcb: {  	v13 =	vmul.f32 v13, v28;
	[tilespmem:s6+$0x0] =	vst v19;
	v19 =	vadd.s32 $0x34E, v2;
	v28 =	vld.idx.msk [tilespmem:v21+s13+$0x0], $0xffff  }
0xcc: {  	v35 =	vshra.s32 v12, $0x17;
	v6 =	vadd.s32 $0x5E, v18;
	v36 =	vld.idx.msk [tilespmem:v26+s13+$0x0], $0xffff;
	[tilespmem:s20+$0x0] =	vst v17  }
0xcd: {  	v5 =	vadd.s32 $0xBC, v18;
	v17 =	vmul.f32 v8, v3;
	v15 =	vmul.f32 v13, v13;
	v37 =	vld.idx.msk [tilespmem:v23+s13+$0x0], $0xffff;
	[tilespmem:s19+$0x0] =	vst v31  }
0xce: {  	v38 =	vmul.f32 $2.700000050e+00, v10;
	v8 =	vadd.s32 $0x11A, v18;
	v24 =	vmul.f32 v24, v3;
	v31 =	vld.idx.msk [tilespmem:v9+s13+$0x0], $0xffff;
	[tilespmem:s23+$0x0] =	vst v16  }
0xcf: {  	v16 =	vsub.f32 v20, v17;
	v17 =	vmul.f32 v30, v3;
	v39 =	vmul.f32 $2.222222240e-01, v15;
	v40 =	vld.idx.msk [tilespmem:v33+s13+$0x0], $0xffff;
	[tilespmem:s26+$0x0] =	vst v32  }
0xd0: {  	v30 =	vmul.f32 $2.700000050e+00, v4;
	v24 =	vsub.f32 v38, v24;
	v34 =	vmul.f32 v34, v3;
	v32 =	vld.idx.msk [tilespmem:v19+s13+$0x0], $0xffff;
	[tilespmem:s16+$0x0] =	vst v14  }
0xd1: {  	v14 =	vsub.f32 v38, v17;
	v20 =	vld.idx.msk [tilespmem:v26+s15+$0x0], $0xffff;
	v26 =	vmul.f32 v28, v3;
	v28 =	vmul.f32 $1.442695020e+00, v16  }
0xd2: {  	s12 =	sadd.s32 $0x20, s12;
	v36 =	vmul.f32 v36, v1;
	v24 =	vmul.f32 $1.442695020e+00, v24;
	v16 =	vld.idx.msk [tilespmem:v23+s15+$0x0], $0xffff;
	v23 =	vsub.f32 v38, v34  }
0xd3: {  	s4 =	sand.u32 $0x60, s12;
	v34 =	vmul.f32 $1.442695020e+00, v14;
	v17 =	vld.idx.msk [tilespmem:v9+s15+$0x0], $0xffff;
	v26 =	vsub.f32 v38, v26;
	(erf) = vpow2.f32 v28  }
0xd4: {  	s2 =	sor.u32 $0x10, s4;
	s16 =	sand.u32 $0xF80, s12;
	v28 =	vsub.f32 v11, v36;
	v11 =	vld.idx.msk [tilespmem:v33+s15+$0x0], $0xffff;
	v23 =	vmul.f32 $1.442695020e+00, v23;
	(erf) = vpow2.f32 v24  }
0xd5: {  	s16 =	sor.u32 s16, s2;
	v9 =	vadd.s32 $0x178, v18;
	v14 =	vld.idx.msk [tilespmem:v19+s15+$0x0], $0xffff;
	v24 =	vmul.f32 $1.442695020e+00, v26;
	(erf) = vpow2.f32 v34  }
0xd6: {  	v33 =	vmul.f32 v37, v1;
	v26 =	vsel vm0, $0xFFFFFF82, v0;
	v19 =	vld [tilespmem:s16+$0x0];
	(erf) = vpow2.f32 v23  }
0xd7: {  	v31 =	vmul.f32 v31, v1;
	v23 =	vadd.f32 $2.857142980e-01, v39;
	v27 =	vld.idx.msk [tilespmem:v27+s15+$0x0], $0xffff;
	(erf) = vpow2.f32 v24  }
0xd8: {  	v32 =	vmul.f32 v32, v1;
	v24 =	vsub.f32 v30, v33;
	v33 =	vmul.f32 v40, v1;
	v22 =	vld.idx.msk [tilespmem:v22+s15+$0x0], $0xffff  }
0xd9: {  	v31 =	vsub.f32 v30, v31;
	v28 =	vmul.f32 $1.442695020e+00, v28;
	v23 =	vmul.f32 v23, v15;
	v25 =	vld.idx.msk [tilespmem:v25+s15+$0x0], $0xffff  }
0xda: {  	s29 =	sadd.s32 $0x1, s29;
	v34 =	vsub.f32 v30, v33;
	v30 =	vsub.f32 v30, v32;
	v36 =	vmul.f32 $1.442695020e+00, v24;
	v29 =	vld.idx.msk [tilespmem:v29+s15+$0x0], $0xffff  }
0xdb: {  	s19 =	sand.u32 $0x3, s29;
	v26 =	vadd.s32 v35, v26;
	v31 =	vmul.f32 $1.442695020e+00, v31;
	v21 =	vld.idx.msk [tilespmem:v21+s15+$0x0], $0xffff;
	(erf) = vpow2.f32 v28  }
0xdc: {  	s19 =	sshll.u32 s19, $0x5;
	v28 =	vand.u32 $0x7FFFFF, v19;
	v32 =	vmul.f32 $1.442695020e+00, v34;
	v30 =	vmul.f32 $1.442695020e+00, v30;
	v33 =	vpop (erf)  }
0xdd: {  	s19 =	sadd.s32 s19, s10;
	v28 =	vor.u32 $0x3F800000, v28;
	v35 =	vmul.f32 v33, v27;
	(erf) = vpow2.f32 v36;
	v24 =	vpop (erf)  }
0xde: {  	s23 =	sor.u32 $0x300, s19;
	s20 =	sor.u32 $0x380, s19;
	s19 =	sadd.s32 $0x10, s19;
	v23 =	vadd.f32 $4.000000060e-01, v23;
	v34 =	vmul.f32 $5.000000000e-01, v28;
	v33 =	vld.idx.msk [tilespmem:v18+s13+$0x0], $0xffff;
	v22 =	vmul.f32 v24, v22;
	v24 =	vpop (erf)  }
0xdf: {  	s14 =	sadd.s32 $0x2, s14;
	vm0 =	vgt.f32 v28, $1.414213540e+00;
	[tilespmem:s11+$0x280] =	vst v35;
	s11 =	sor.u32 $0x300, s19;
	v24 =	vmul.f32 v24, v25;
	v25 =	vadd.s32 $0x3AC, v7;
	v27 =	vpop (erf)  }
0xe0: {  	p1 =	slt.u32 s14, $0xC6;
	s26 =	sadd.s32 $0xA200, s1;
	v28 =	vsel vm0, v34, v28;
	s19 =	sor.u32 $0x380, s19;
	v35 =	vld.idx.msk [tilespmem:v6+s13+$0x0], $0xffff;
	[tilespmem:s11+$0x3E00] =	vst v22;
	v22 =	vmul.f32 v29, v27;
	v27 =	vadd.s32 $0x40A, v7;
	v29 =	vpop (erf)  }
0xe1: {  	s21 =	sadd.s32 $0xA280, s1;
	v37 =	vadd.f32 $1.000000000e+00, v28;
	s11 =	sor.u32 s8, s26;
	s26 =	sor.u32 s9, s26;
	v34 =	vld.idx.msk [tilespmem:v5+s13+$0x0], $0xffff;
	[tilespmem:s19+$0x3E00] =	vst v24;
	v21 =	vmul.f32 v21, v29;
	v24 =	vadd.s32 $0x468, v7  }
0xe2: {  	v26 =	vcvt.s32.f32 v26;
	s19 =	sor.u32 s8, s21;
	s21 =	sor.u32 s9, s21;
	v29 =	vld.idx.msk [tilespmem:v8+s13+$0x0], $0xffff;
	[tilespmem:s26+$0x0] =	vst v22;
	v22 =	vadd.s32 $0x4C6, v7;
	(erf) = vpow2.f32 v31  }
0xe3: {  	v23 =	vmul.f32 v23, v15;
	v31 =	vld.idx.msk [tilespmem:v9+s13+$0x0], $0xffff;
	(erf) = vrcp.f32 v37;
	[tilespmem:s21+$0x0] =	vst v21;
	v21 =	vadd.s32 $0x524, v7  }
0xe4: {  	v7 =	vmul.f32 v33, v12;
	v33 =	vld.idx.msk [tilespmem:v25+s13+$0x0], $0xffff;
	v36 =	vpop (erf);
	(erf) = vpow2.f32 v32  }
0xe5: {  	v23 =	vadd.f32 $6.666666860e-01, v23;
	v20 =	vmul.f32 v36, v20;
	v32 =	vld.idx.msk [tilespmem:v27+s13+$0x0], $0xffff;
	(erf) = vpow2.f32 v30  }
0xe6: {  	v26 =	vmul.f32 $6.931471820e-01, v26;
	v30 =	vmul.f32 v35, v12;
	v35 =	vld.idx.msk [tilespmem:v24+s13+$0x0], $0xffff;
	v36 =	vpop (erf)  }
0xe7: {  	v23 =	vmul.f32 v23, v15;
	v7 =	vsub.f32 $0.0e+00, v7;
	[tilespmem:s6+$0x280] =	vst v20;
	v16 =	vmul.f32 v36, v16;
	v20 =	vld.idx.msk [tilespmem:v22+s13+$0x0], $0xffff  }
0xe8: {  	v15 =	vadd.s32 $0x3AC, v2;
	v34 =	vmul.f32 v34, v12;
	v29 =	vmul.f32 v29, v12;
	v36 =	vld.idx.msk [tilespmem:v21+s13+$0x0], $0xffff  }
0xe9: {  	v23 =	vadd.f32 $2.000000000e+00, v23;
	v37 =	vmul.f32 $1.442695020e+00, v7;
	v31 =	vmul.f32 v31, v12;
	[tilespmem:s23+$0x3E00] =	vst v16  }
0xea: {  	v7 =	vmul.f32 $3.000000000e+00, v10;
	v16 =	vadd.s32 $0x40A, v2;
	v10 =	vmul.f32 v33, v3  }
0xeb: {  	v23 =	vmul.f32 v23, v13;
	v13 =	vadd.f32 $-1.000000000e+00, v28;
	v38 =	vmul.f32 v32, v3;
	v32 =	vpop (erf)  }
0xec: {  	v39 =	vmul.f32 v35, v3;
	v33 =	vpop (erf);
	v17 =	vmul.f32 v32, v17;
	v32 =	vsub.f32 v7, v10  }
0xed: {  	v20 =	vmul.f32 v20, v3;
	v10 =	vmul.f32 v33, v13;
	v13 =	vsub.f32 v7, v38;
	v28 =	vpop (erf)  }
0xee: {  	v33 =	vmul.f32 v36, v3;
	[tilespmem:s20+$0x3E00] =	vst v17;
	v17 =	vsub.f32 v7, v39;
	v32 =	vmul.f32 $1.442695020e+00, v32;
	v35 =	vpop (erf)  }
0xef: {  	v3 =	vmovc v19;
	v20 =	vsub.f32 v7, v20;
	v36 =	vmul.f32 v10, v10;
	v38 =	vmul.f32 $1.442695020e+00, v13  }
0xf0: {  	v7 =	vsub.f32 v7, v33;
	v17 =	vmul.f32 $1.442695020e+00, v17;
	(erf) = vpow2.f32 v32  }
0xf1: {  	v13 =	vadd.s32 $0x468, v2;
	v19 =	vmul.f32 $1.442695020e+00, v20;
	(erf) = vpow2.f32 v38  }
0xf2: {  	v23 =	vadd.f32 v23, v26;
	v26 =	vmul.f32 $1.442695020e+00, v7;
	(erf) = vpow2.f32 v17  }
0xf3: {  	v20 =	vadd.s32 $0x4C6, v2;
	v17 =	vmul.f32 $2.222222240e-01, v36;
	v7 =	vld [tilespmem:s16+$0x1900];
	(erf) = vpow2.f32 v19  }
0xf4: {  	v28 =	vmul.f32 v11, v28;
	v19 =	vsub.f32 v23, v30;
	v25 =	vld.idx.msk [tilespmem:v25+s15+$0x0], $0xffff;
	(erf) = vpow2.f32 v26  }
0xf5: {  	v14 =	vmul.f32 v14, v35;
	v26 =	vsub.f32 v23, v34;
	v17 =	vadd.f32 $2.857142980e-01, v17;
	v27 =	vld.idx.msk [tilespmem:v27+s15+$0x0], $0xffff  }
0xf6: {  	v11 =	vadd.f32 v23, v23;
	v19 =	vmul.f32 $1.442695020e+00, v19;
	(erf) = vpow2.f32 v37;
	[tilespmem:s11+$0x0] =	vst v28;
	v24 =	vld.idx.msk [tilespmem:v24+s15+$0x0], $0xffff  }
0xf7: {  	v26 =	vmul.f32 $1.442695020e+00, v26;
	v17 =	vmul.f32 v17, v36;
	[tilespmem:s19+$0x0] =	vst v14;
	v14 =	vadd.s32 $0x524, v2;
	v28 =	vld.idx.msk [tilespmem:v22+s15+$0x0], $0xffff;
	v2 =	vmovc v18  }
0xf8: {  	v30 =	vmul.f32 $3.000000000e+00, v4;
	v4 =	vmovc v23;
	v18 =	vsub.f32 v11, v29;
	(erf) = vpow2.f32 v19;
	v19 =	vld.idx.msk [tilespmem:v21+s15+$0x0], $0xffff  }
0xf9: {  	v22 =	vsub.f32 v11, v31;
	v17 =	vadd.f32 $4.000000060e-01, v17;
	(erf) = vpow2.f32 v26;
	v23 =	vld.idx.msk [tilespmem:v15+s13+$0x0], $0xffff;
	v21 =	vpop (erf)  }
0xfa: {  	s6 =	sadd.s32 $0xA300, s1;
	v26 =	vmul.f32 $1.442695020e+00, v18;
	v18 =	vadd.s32 $0x5E, v7;
	v29 =	vld.idx.msk [tilespmem:v16+s13+$0x0], $0xffff;
	v25 =	vmul.f32 v25, v21;
	v31 =	vpop (erf)  }
0xfb: {  	s20 =	sor.u32 s8, s6;
	s6 =	sor.u32 s9, s6;
	s11 =	sadd.s32 $0xA380, s1;
	v17 =	vmul.f32 v17, v36;
	v21 =	vadd.s32 $0xBC, v7;
	v32 =	vld.idx.msk [tilespmem:v13+s13+$0x0], $0xffff;
	v27 =	vmul.f32 v27, v31;
	v31 =	vpop (erf)  }
0xfc: {  	s16 =	sadd.s32 $0xA400, s1;
	s19 =	sor.u32 s8, s11;
	v33 =	vmul.f32 $1.442695020e+00, v22;
	v22 =	vadd.s32 $0x11A, v7;
	v34 =	vld.idx.msk [tilespmem:v20+s13+$0x0], $0xffff;
	[tilespmem:s6+$0x0] =	vst v25;
	s6 =	sor.u32 s9, s11;
	v24 =	vmul.f32 v24, v31;
	v31 =	vpop (erf)  }
0xfd: {  	s23 =	sor.u32 s8, s16;
	v17 =	vadd.f32 $6.666666860e-01, v17;
	v25 =	vadd.s32 $0x178, v7;
	s11 =	sadd.s32 $0xA480, s1;
	v35 =	vld.idx.msk [tilespmem:v14+s13+$0x0], $0xffff;
	[tilespmem:s6+$0x0] =	vst v27;
	s6 =	sor.u32 s9, s16;
	v27 =	vmul.f32 v28, v31;
	v28 =	vpop (erf)  }
0xfe: {  	s1 =	sadd.s32 $0xA500, s1;
	s26 =	sor.u32 s8, s11;
	v37 =	vld.idx.msk [tilespmem:v7+s13+$0x0], $0xffff;
	(erf) = vpow2.f32 v26;
	[tilespmem:s6+$0x0] =	vst v24;
	s6 =	sor.u32 s9, s11;
	v24 =	vmul.f32 v19, v28  }
0xff: {  	s16 =	sor.u32 s8, s1;
	s1 =	sor.u32 s9, s1;
	s8 =	smov.u32 s4;
	v26 =	vshra.s32 v3, $0x17;
	v28 =	vsel vm0, $0xFFFFFF82, v0;
	v17 =	vmul.f32 v17, v36;
	v36 =	vld.idx.msk [tilespmem:v18+s13+$0x0], $0xffff;
	v19 =	vpop (erf);
	[tilespmem:s6+$0x0] =	vst v27  }
0x100: {  	s9 =	smov.u32 s2;
	v26 =	vadd.s32 v26, v28;
	v27 =	vmul.f32 v23, v1;
	v38 =	vld.idx.msk [tilespmem:v21+s13+$0x0], $0xffff;
	(erf) = vpow2.f32 v33;
	[tilespmem:s1+$0x0] =	vst v24  }
0x101: {  	v28 =	vmul.f32 v29, v1;
	v26 =	vcvt.s32.f32 v26;
	v17 =	vadd.f32 $2.000000000e+00, v17;
	v33 =	vld.idx.msk [tilespmem:v22+s13+$0x0], $0xffff;
	v23 =	vpop (erf)  }
0x102: {  	v31 =	vsub.f32 v30, v27;
	v27 =	vmul.f32 v32, v1;
	v29 =	vmul.f32 v34, v1;
	v39 =	vld.idx.msk [tilespmem:v25+s13+$0x0], $0xffff;
	v24 =	vpop (erf)  }
0x103: {  	v28 =	vsub.f32 v30, v28;
	v26 =	vmul.f32 $6.931471820e-01, v26;
	v10 =	vmul.f32 v17, v10;
	v17 =	vld.idx.msk [tilespmem:v15+s15+$0x0], $0xffff  }
.Ltmp0:
0x104: {  	v32 =	vmul.f32 v37, v3;
	v27 =	vsub.f32 v30, v27;
	v37 =	vmul.f32 v35, v1;
	v15 =	vld.idx.msk [tilespmem:v16+s15+$0x0], $0xffff;
	(pc) =	sbr.rel @p1 .LBB2_3-.Ltmp0, $4  }
0x105: {  	v29 =	vsub.f32 v30, v29;
	v10 =	vadd.f32 v10, v26;
	v36 =	vmul.f32 v36, v3;
	v16 =	vld.idx.msk [tilespmem:v13+s15+$0x0], $0xffff  }
0x106: {  	v1 =	vmovc v12;
	v35 =	vsub.f32 $0.0e+00, v32;
	v34 =	vmul.f32 v38, v3;
	v30 =	vsub.f32 v30, v37;
	v13 =	vld.idx.msk [tilespmem:v20+s15+$0x0], $0xffff  }
0x107: {  	v20 =	vadd.f32 v10, v10;
	v32 =	vsub.f32 v10, v36;
	v33 =	vmul.f32 v33, v3;
	v26 =	vpop (erf);
	v14 =	vld.idx.msk [tilespmem:v14+s15+$0x0], $0xffff  }
0x108: {  	s30 =	sadd.s32 $0x20, s30;
	v34 =	vsub.f32 v10, v34;
	v36 =	vmul.f32 v39, v3;
	v35 =	vmul.f32 $1.442695020e+00, v35  }
0x109: {  	_ =	sdelay $0x2  }
0x10a: {  	v12 =	vsub.f32 v20, v33;
	v32 =	vmul.f32 $1.442695020e+00, v32  }
0x10b: {  	v8 =	vld.idx.msk [tilespmem:v8+s15+$0x0], $0xffff;
	v48 =	vsub.f32 v20, v36;
	v34 =	vmul.f32 $1.442695020e+00, v34;
	(erf) = vpow2.f32 v35  }
0x10c: {  	v9 =	vld.idx.msk [tilespmem:v9+s15+$0x0], $0xffff;
	v12 =	vmul.f32 $1.442695020e+00, v12;
	(erf) = vpow2.f32 v32  }
0x10d: {  	v6 =	vld.idx.msk [tilespmem:v6+s15+$0x0], $0xffff;
	v49 =	vmul.f32 $1.442695020e+00, v48;
	(erf) = vpow2.f32 v34  }
0x10e: {  	s4 =	sadd.s32 $0x100, s10;
	v5 =	vld.idx.msk [tilespmem:v5+s15+$0x0], $0xffff;
	(erf) = vpow2.f32 v12  }
0x10f: {  	v56 =	vld.idx.msk [tilespmem:v2+s15+$0x0], $0xffff;
	s1 =	sand.u32 $0x7C00, s4;
	(erf) = vpow2.f32 v49  }
0x110: {  	v50 =	vpop (erf);
	s2 =	sadd.s32 $0x3E00, s1;
	v12 =	vld.idx.msk [tilespmem:v7+s15+$0x0], $0xffff;
	v8 =	vmul.f32 v26, v8  }
0x111: {  	v18 =	vld.idx.msk [tilespmem:v18+s15+$0x0], $0xffff;
	s6 =	sor.u32 s9, s2;
	s2 =	sor.u32 s8, s2;
	v9 =	vmul.f32 v50, v9  }
0x112: {  	v21 =	vld.idx.msk [tilespmem:v21+s15+$0x0], $0xffff;
	v6 =	vmul.f32 v23, v6;
	[tilespmem:s2+$0x180] =	vst v8  }
0x113: {  	v22 =	vld.idx.msk [tilespmem:v22+s15+$0x0], $0xffff;
	v5 =	vmul.f32 v24, v5;
	[tilespmem:s2+$0x200] =	vst v9  }
0x114: {  	v25 =	vld.idx.msk [tilespmem:v25+s15+$0x0], $0xffff;
	v19 =	vmul.f32 v56, v19;
	[tilespmem:s2+$0x80] =	vst v6;
	v51 =	vpop (erf)  }
0x115: {  	v26 =	vmul.f32 $1.442695020e+00, v27;
	[tilespmem:s2+$0x100] =	vst v5;
	v12 =	vmul.f32 v12, v51;
	v52 =	vpop (erf)  }
0x116: {  	v27 =	vmul.f32 $1.442695020e+00, v29;
	v29 =	vadd.s32 $0x1D6, v2;
	[tilespmem:s2+$0x0] =	vst v19;
	v18 =	vmul.f32 v52, v18;
	v53 =	vpop (erf)  }
0x117: {  	v31 =	vmul.f32 $1.442695020e+00, v31;
	[tilespmem:s6+$0x0] =	vst v12;
	v12 =	vmul.f32 v53, v21;
	v21 =	vadd.s32 $0x1D6, v7;
	v54 =	vpop (erf)  }
0x118: {  	v28 =	vmul.f32 $1.442695020e+00, v28;
	[tilespmem:s6+$0x80] =	vst v18;
	v18 =	vmul.f32 v54, v22;
	v22 =	vadd.s32 $0x234, v7;
	v55 =	vpop (erf)  }
0x119: {  	(erf) = vpow2.f32 v31;
	[tilespmem:s6+$0x100] =	vst v12;
	v12 =	vmul.f32 v55, v25;
	v25 =	vadd.s32 $0x292, v7  }
0x11a: {  	(erf) = vpow2.f32 v28;
	[tilespmem:s6+$0x180] =	vst v18;
	v18 =	vadd.s32 $0x2F0, v7  }
0x11b: {  	(erf) = vpow2.f32 v26;
	v26 =	vld.idx.msk [tilespmem:v29+s13+$0x0], $0xffff;
	[tilespmem:s6+$0x200] =	vst v12;
	v12 =	vadd.s32 $0x34E, v7  }
0x11c: {  	v8 =	vld.idx.msk [tilespmem:v21+s13+$0x0], $0xffff  }
0x11d: {  	v9 =	vld.idx.msk [tilespmem:v22+s13+$0x0], $0xffff  }
0x11e: {  	v6 =	vld.idx.msk [tilespmem:v25+s13+$0x0], $0xffff  }
0x11f: {  	v23 =	vmul.f32 $1.442695020e+00, v30;
	v24 =	vadd.s32 $0x234, v2;
	v5 =	vld.idx.msk [tilespmem:v18+s13+$0x0], $0xffff  }
0x120: {  	(erf) = vpow2.f32 v27;
	v27 =	vadd.s32 $0x2F0, v2;
	v19 =	vld.idx.msk [tilespmem:v12+s13+$0x0], $0xffff  }
0x121: {  	(erf) = vpow2.f32 v23;
	v23 =	vadd.s32 $0x292, v2;
	v8 =	vmul.f32 v8, v3  }
0x122: {  	v30 =	vadd.s32 $0x34E, v2;
	v28 =	vmul.f32 $2.700000050e+00, v10;
	v9 =	vmul.f32 v9, v3  }
0x123: {  	v6 =	vmul.f32 v6, v3;
	v8 =	vsub.f32 v20, v8  }
0x124: {  	v31 =	vld.idx.msk [tilespmem:v24+s13+$0x0], $0xffff;
	v26 =	vmul.f32 v26, v1;
	v5 =	vmul.f32 v5, v3;
	v9 =	vsub.f32 v28, v9  }
0x125: {  	v58 =	vld.idx.msk [tilespmem:v27+s13+$0x0], $0xffff;
	v6 =	vsub.f32 v28, v6;
	v19 =	vmul.f32 v19, v3;
	v8 =	vmul.f32 $1.442695020e+00, v8  }
0x126: {  	v57 =	vld.idx.msk [tilespmem:v23+s13+$0x0], $0xffff;
	v20 =	vmul.f32 $2.700000050e+00, v4;
	v5 =	vsub.f32 v28, v5;
	v9 =	vmul.f32 $1.442695020e+00, v9  }
0x127: {  	v19 =	vsub.f32 v28, v19;
	v6 =	vmul.f32 $1.442695020e+00, v6;
	v28 =	vld.idx.msk [tilespmem:v30+s13+$0x0], $0xffff;
	(erf) = vpow2.f32 v8  }
0x128: {  	v5 =	vmul.f32 $1.442695020e+00, v5;
	(erf) = vpow2.f32 v9  }
0x129: {  	v8 =	vmul.f32 $1.442695020e+00, v19;
	(erf) = vpow2.f32 v6  }
0x12a: {  	v6 =	vmul.f32 v31, v1;
	(erf) = vpow2.f32 v5  }
0x12b: {  	v5 =	vmul.f32 v57, v1;
	v9 =	vpop (erf);
	(erf) = vpow2.f32 v8  }
0x12c: {  	v11 =	vsub.f32 v11, v26;
	v8 =	vmul.f32 v58, v1;
	v26 =	vmul.f32 v28, v1  }
0x12d: {  	v6 =	vsub.f32 v20, v6;
	v28 =	vsub.f32 v20, v5  }
0x12e: {  	v21 =	vld.idx.msk [tilespmem:v21+s15+$0x0], $0xffff;
	v19 =	vpop (erf);
	v8 =	vsub.f32 v20, v8;
	v20 =	vsub.f32 v20, v26  }
0x12f: {  	v22 =	vld.idx.msk [tilespmem:v22+s15+$0x0], $0xffff;
	v11 =	vmul.f32 $1.442695020e+00, v11;
	v31 =	vpop (erf)  }
0x130: {  	s12 =	sadd.s32 $0x1, s29;
	v25 =	vld.idx.msk [tilespmem:v25+s15+$0x0], $0xffff;
	v5 =	vpop (erf);
	v26 =	vmul.f32 $1.442695020e+00, v6;
	v28 =	vmul.f32 $1.442695020e+00, v28  }
0x131: {  	s10 =	sand.u32 $0x3, s12;
	v18 =	vld.idx.msk [tilespmem:v18+s15+$0x0], $0xffff;
	(erf) = vpow2.f32 v11;
	v6 =	vpop (erf);
	v8 =	vmul.f32 $1.442695020e+00, v8  }
0x132: {  	s10 =	sshll.u32 s10, $0x5;
	v11 =	vld.idx.msk [tilespmem:v12+s15+$0x0], $0xffff;
	v12 =	vmul.f32 $1.442695020e+00, v20;
	v20 =	vpop (erf);
	(erf) = vpow2.f32 v26  }
0x133: {  	s4 =	sadd.s32 s10, s4;
	v20 =	vmul.f32 v20, v21;
	v21 =	vpop (erf);
	(erf) = vpow2.f32 v28  }
0x134: {  	s10 =	sadd.s32 $0x10, s4;
	v21 =	vmul.f32 v21, v22;
	v22 =	vpop (erf);
	(erf) = vpow2.f32 v8  }
0x135: {  	s14 =	sor.u32 $0x300, s10;
	v8 =	vld.idx.msk [tilespmem:v29+s15+$0x0], $0xffff;
	[tilespmem:s6+$0x280] =	vst v20;
	v20 =	vmul.f32 v22, v25;
	v22 =	vadd.s32 $0x3AC, v7;
	v25 =	vpop (erf);
	(erf) = vpow2.f32 v12  }
0x136: {  	s11 =	sadd.s32 $0xA200, s1;
	s21 =	sor.u32 $0x380, s10;
	v12 =	vld.idx.msk [tilespmem:v24+s15+$0x0], $0xffff;
	[tilespmem:s14+$0x3E00] =	vst v21;
	v18 =	vmul.f32 v18, v25;
	v21 =	vadd.s32 $0x40A, v7;
	v24 =	vpop (erf)  }
0x137: {  	s12 =	sor.u32 s9, s11;
	s10 =	sadd.s32 $0xA280, s1;
	v23 =	vld.idx.msk [tilespmem:v23+s15+$0x0], $0xffff;
	[tilespmem:s21+$0x3E00] =	vst v20;
	v11 =	vmul.f32 v11, v24;
	v20 =	vadd.s32 $0x468, v7  }
0x138: {  	s14 =	sor.u32 s9, s10;
	v24 =	vld.idx.msk [tilespmem:v27+s15+$0x0], $0xffff;
	[tilespmem:s12+$0x0] =	vst v18;
	v18 =	vadd.s32 $0x4C6, v7  }
0x139: {  	[tilespmem:s14+$0x0] =	vst v11;
	v11 =	vld.idx.msk [tilespmem:v30+s15+$0x0], $0xffff  }
0x13a: {  	v26 =	vpop (erf);
	v7 =	vadd.s32 $0x524, v7;
	v25 =	vld.idx.msk [tilespmem:v22+s13+$0x0], $0xffff  }
0x13b: {  	v8 =	vmul.f32 v26, v8;
	v26 =	vld.idx.msk [tilespmem:v21+s13+$0x0], $0xffff;
	v27 =	vpop (erf)  }
0x13c: {  	v28 =	vld.idx.msk [tilespmem:v20+s13+$0x0], $0xffff;
	v12 =	vmul.f32 v27, v12;
	v27 =	vpop (erf)  }
0x13d: {  	v29 =	vadd.s32 $0x3AC, v2;
	s21 =	sor.u32 $0x300, s4;
	[tilespmem:s2+$0x280] =	vst v8;
	v8 =	vld.idx.msk [tilespmem:v18+s13+$0x0], $0xffff;
	v23 =	vmul.f32 v27, v23;
	v27 =	vpop (erf)  }
0x13e: {  	v10 =	vmul.f32 $3.000000000e+00, v10;
	s4 =	sor.u32 $0x380, s4;
	[tilespmem:s21+$0x3E00] =	vst v12;
	v12 =	vadd.s32 $0x40A, v2;
	v30 =	vpop (erf);
	v24 =	vmul.f32 v24, v27  }
0x13f: {  	s6 =	sor.u32 s8, s11;
	v27 =	vld.idx.msk [tilespmem:v7+s13+$0x0], $0xffff;
	v25 =	vmul.f32 v25, v3;
	[tilespmem:s4+$0x3E00] =	vst v23;
	v23 =	vadd.s32 $0x468, v2;
	v11 =	vmul.f32 v11, v30  }
0x140: {  	v9 =	vmul.f32 v17, v9;
	s10 =	sor.u32 s8, s10;
	v17 =	vmul.f32 v26, v3;
	v26 =	vadd.s32 $0x4C6, v2;
	[tilespmem:s6+$0x0] =	vst v24  }
0x141: {  	v2 =	vadd.s32 $0x524, v2;
	v24 =	vsub.f32 v10, v25;
	v25 =	vmul.f32 v28, v3;
	[tilespmem:s10+$0x0] =	vst v11  }
0x142: {  	v11 =	vmul.f32 v15, v19;
	v15 =	vsub.f32 v10, v17;
	v8 =	vmul.f32 v8, v3;
	v17 =	vld.idx.msk [tilespmem:v29+s13+$0x0], $0xffff  }
0x143: {  	v19 =	vsub.f32 v10, v25;
	v24 =	vmul.f32 $1.442695020e+00, v24;
	v25 =	vld.idx.msk [tilespmem:v12+s13+$0x0], $0xffff  }
0x144: {  	v4 =	vmul.f32 $3.000000000e+00, v4;
	v3 =	vmul.f32 v27, v3;
	v8 =	vsub.f32 v10, v8;
	v27 =	vld.idx.msk [tilespmem:v23+s13+$0x0], $0xffff  }
0x145: {  	v15 =	vmul.f32 $1.442695020e+00, v15;
	(erf) = vpow2.f32 v24;
	v24 =	vld.idx.msk [tilespmem:v26+s13+$0x0], $0xffff  }
0x146: {  	v19 =	vmul.f32 $1.442695020e+00, v19;
	v3 =	vsub.f32 v10, v3;
	v10 =	vld.idx.msk [tilespmem:v2+s13+$0x0], $0xffff;
	v8 =	vmul.f32 $1.442695020e+00, v8  }
0x147: {  	(erf) = vpow2.f32 v15;
	v15 =	vmul.f32 v17, v1  }
0x148: {  	v3 =	vmul.f32 $1.442695020e+00, v3;
	v17 =	vmul.f32 v25, v1  }
0x149: {  	(erf) = vpow2.f32 v19;
	v15 =	vsub.f32 v4, v15;
	v19 =	vmul.f32 v27, v1  }
0x14a: {  	(erf) = vpow2.f32 v8;
	v8 =	vmul.f32 v24, v1;
	v17 =	vsub.f32 v4, v17  }
0x14b: {  	v1 =	vmul.f32 v10, v1;
	v19 =	vsub.f32 v4, v19;
	v10 =	vmul.f32 $1.442695020e+00, v15  }
0x14c: {  	(erf) = vpow2.f32 v3;
	v3 =	vsub.f32 v4, v8;
	v8 =	vmul.f32 $1.442695020e+00, v17  }
0x14d: {  	v1 =	vsub.f32 v4, v1;
	v4 =	vmul.f32 $1.442695020e+00, v19;
	(erf) = vpow2.f32 v10  }
0x14e: {  	v15 =	vld.idx.msk [tilespmem:v22+s15+$0x0], $0xffff;
	v3 =	vmul.f32 $1.442695020e+00, v3;
	(erf) = vpow2.f32 v8  }
0x14f: {  	v10 =	vld.idx.msk [tilespmem:v21+s15+$0x0], $0xffff;
	(erf) = vpow2.f32 v4;
	v4 =	vmul.f32 v13, v5  }
0x150: {  	v16 =	vmul.f32 v16, v31;
	[tilespmem:s20+$0x0] =	vst v9;
	v8 =	vld.idx.msk [tilespmem:v20+s15+$0x0], $0xffff;
	v1 =	vmul.f32 $1.442695020e+00, v1  }
0x151: {  	[tilespmem:s19+$0x0] =	vst v11;
	v5 =	vld.idx.msk [tilespmem:v18+s15+$0x0], $0xffff;
	(erf) = vpow2.f32 v3  }
0x152: {  	[tilespmem:s23+$0x0] =	vst v16;
	v3 =	vmul.f32 v14, v6;
	v6 =	vld.idx.msk [tilespmem:v7+s15+$0x0], $0xffff;
	v7 =	vpop (erf);
	(erf) = vpow2.f32 v1  }
0x153: {  	s11 =	sadd.s32 $0xA300, s1;
	[tilespmem:s26+$0x0] =	vst v4;
	v1 =	vmul.f32 v15, v7;
	v7 =	vld.idx.msk [tilespmem:v29+s15+$0x0], $0xffff;
	v4 =	vpop (erf)  }
0x154: {  	s14 =	sadd.s32 $0xA380, s1;
	v9 =	vld.idx.msk [tilespmem:v12+s15+$0x0], $0xffff;
	[tilespmem:s16+$0x0] =	vst v3;
	s16 =	sor.u32 s9, s11;
	v3 =	vmul.f32 v10, v4;
	v4 =	vpop (erf)  }
0x155: {  	s20 =	sor.u32 s9, s14;
	s19 =	sadd.s32 $0xA400, s1;
	[tilespmem:s16+$0x0] =	vst v1;
	v1 =	vmul.f32 v8, v4;
	v4 =	vpop (erf);
	v8 =	vld.idx.msk [tilespmem:v23+s15+$0x0], $0xffff  }
0x156: {  	s21 =	sadd.s32 $0xA480, s1;
	s23 =	sor.u32 s9, s19;
	[tilespmem:s20+$0x0] =	vst v3;
	v3 =	vmul.f32 v5, v4;
	v4 =	vpop (erf);
	v5 =	vld.idx.msk [tilespmem:v26+s15+$0x0], $0xffff  }
0x157: {  	s1 =	sadd.s32 $0xA500, s1;
	v2 =	vld.idx.msk [tilespmem:v2+s15+$0x0], $0xffff;
	s26 =	sor.u32 s9, s21;
	[tilespmem:s23+$0x0] =	vst v1;
	v1 =	vmul.f32 v6, v4;
	v4 =	vpop (erf)  }
0x158: {  	s12 =	sor.u32 s9, s1;
	[tilespmem:s26+$0x0] =	vst v3;
	v3 =	vmul.f32 v7, v4;
	v4 =	vpop (erf)  }
0x159: {  	s2 =	sor.u32 s8, s11;
	[tilespmem:s12+$0x0] =	vst v1;
	v1 =	vmul.f32 v9, v4;
	v4 =	vpop (erf)  }
0x15a: {  	s4 =	sor.u32 s8, s14;
	v4 =	vmul.f32 v8, v4;
	v6 =	vpop (erf);
	[tilespmem:s2+$0x0] =	vst v3  }
0x15b: {  	s14 =	sor.u32 s8, s19;
	v3 =	vmul.f32 v5, v6;
	v5 =	vpop (erf);
	[tilespmem:s4+$0x0] =	vst v1  }
0x15c: {  	s19 =	smul.u32 $0xC80, s7;
	s16 =	sor.u32 s8, s21;
	v1 =	vmul.f32 v2, v5;
	[tilespmem:s14+$0x0] =	vst v4  }
0x15d: {  	s1 =	sor.u32 s8, s1;
	s21 =	simm.s32 $0x6400;
	s20 =	rddreg [dreg:$0x3];
	[tilespmem:s16+$0x0] =	vst v3  }
0x15e: {  	s23 =	simm.s32 $0x186A000;
	s26 =	simm.s32 $0x3E00;
	[tilespmem:s1+$0x0] =	vst v1;
	s1 =	sadd.s32 s20, s19  }
0x15f: {  	[hbm4b:s1+s21] =	stream.strided.scatter [tilespmem:s26], [sflag:$0x5], $0xC800, s23, s21, $0x38;
	[tilespmem:$0x1CE00] =	vst v63  }
0x160: {  	_ =	swait.ge [sflag:s24], $0xC80  }
0x161: {  	[sflag:s24] =	ssyncset.done $0x0;
	s2 =	rddreg [dreg:$0xa]  }
0x162: {  	s1 =	sadd.s32 s2, s3;
	[sflag:s24] =	ssyncadd.s32 $0xFFFFF380  }
0x163: {  	s1 =	smin.u32 s1, $0x3E7;
	_ =	swait.ge [sflag:s25], $0xC80  }
0x164: {  	s1 =	smul.u32 $0x190, s1;
	[sflag:s25] =	ssyncset.done $0x0  }
0x165: {  	[sflag:s25] =	ssyncadd.s32 $0xFFFFF380  }
0x166: {  	s4 =	sadd.s32 s22, s1;
	s6 =	rddreg [dreg:$0x1]  }
0x167: {  	[tilespmem:s5], [sflag:$0x1] =	stream.linear.gather [hbm4b:s4+s5], $0xC80, $0x38;
	[tilespmem:$0x1CE00] =	vst v63  }
0x168: {  	s7 =	simm.s32 $0x1900;
	s1 =	sadd.s32 s6, s1  }
0x169: {  	[tilespmem:s7], [sflag:$0x3] =	stream.linear.gather [hbm4b:s1+s5], $0xC80, $0x38;
	[tilespmem:$0x1CE00] =	vst v63  }
0x16a: {  	s1 =	simm.s32 @!p0 $0x6  }
0x16b: {  	_ =	swait.ge @!p0 [sflag:s1], $0xC800  }
0x16c: {  	[sflag:s1] =	ssyncset.done @!p0 $0x0  }
0x16d: {  	s8 =	simm.s32 $0xC80;
	[sflag:s1] =	ssyncadd.s32 @!p0 $0xFFFF3800  }
0x16e: {  	v10 =	vld [tilespmem:s8+$0x0];
	_ =	sdelay $0x4  }
0x16f: {  	v1 =	vand.u32 $0x7FFFFF, v10  }
0x170: {  	s8 =	simm.s32 $0x0;
	v1 =	vor.u32 $0x3F800000, v1  }
0x171: {  	s12 =	sand.u32 $0x60, s8;
	v2 =	vmul.f32 $5.000000000e-01, v1  }
0x172: {  	s9 =	sand.u32 $0xF80, s8;
	s16 =	sor.u32 $0x10, s12;
	vm1 =	vgt.f32 v1, $1.414213540e+00  }
0x173: {  	s1 =	sor.u32 s9, s16;
	v1 =	vsel vm1, v2, v1  }
0x174: {  	v4 =	vld [tilespmem:s1+$0xC80];
	v2 =	vadd.f32 $1.000000000e+00, v1;
	_ =	sdelay $0x1  }
0x175: {  	(erf) = vrcp.f32 v2;
	_ =	sdelay $0x2  }
0x176: {  	v2 =	vand.u32 $0x7FFFFF, v4  }
0x177: {  	v2 =	vor.u32 $0x3F800000, v2  }
0x178: {  	v3 =	vmul.f32 $5.000000000e-01, v2;
	_ =	sdelay $0x1  }
0x179: {  	vm0 =	vgt.f32 v2, $1.414213540e+00  }
0x17a: {  	v1 =	vadd.f32 $-1.000000000e+00, v1;
	v2 =	vsel vm0, v3, v2  }
0x17b: {  	v5 =	vadd.f32 $1.000000000e+00, v2;
	v3 =	vpop (erf)  }
0x17c: {  	v1 =	vmul.f32 v3, v1  }
0x17d: {  	(erf) = vrcp.f32 v5  }
0x17e: {  	v3 =	vmul.f32 v1, v1;
	_ =	sdelay $0x1  }
0x17f: {  	s10 =	simm.s32 $0x2580;
	v5 =	vmul.f32 $2.222222240e-01, v3  }
0x180: {  	v12 =	vld [tilespmem:s10+$0x0]  }
0x181: {  	v5 =	vadd.f32 $2.857142980e-01, v5;
	_ =	sdelay $0x1  }
0x182: {  	v5 =	vmul.f32 v5, v3  }
0x183: {  	v2 =	vadd.f32 $-1.000000000e+00, v2  }
0x184: {  	v6 =	vadd.s32 $0x5E, v12;
	v7 =	vpop (erf);
	v5 =	vadd.f32 $4.000000060e-01, v5  }
0x185: {  	v8 =	vadd.s32 $0xBC, v12;
	v2 =	vmul.f32 v7, v2  }
0x186: {  	v14 =	vadd.s32 $0x178, v12;
	v5 =	vmul.f32 v5, v3  }
0x187: {  	v15 =	vmul.f32 v2, v2  }
0x188: {  	v9 =	vadd.s32 $0x11A, v12;
	v11 =	vld.idx.msk [tilespmem:v12+s13+$0x0], $0xffff;
	v5 =	vadd.f32 $6.666666860e-01, v5  }
0x189: {  	v13 =	vld.idx.msk [tilespmem:v6+s13+$0x0], $0xffff;
	v7 =	vmul.f32 $2.222222240e-01, v15  }
0x18a: {  	v18 =	vshra.s32 v10, $0x17;
	v17 =	vsel vm1, $0xFFFFFF82, v0;
	v16 =	vld.idx.msk [tilespmem:v8+s13+$0x0], $0xffff;
	v3 =	vmul.f32 v5, v3  }
0x18b: {  	v5 =	vadd.s32 v18, v17;
	v17 =	vld.idx.msk [tilespmem:v14+s13+$0x0], $0xffff;
	v18 =	vadd.f32 $2.857142980e-01, v7  }
0x18c: {  	v7 =	vld [tilespmem:s1+$0x2580];
	v5 =	vcvt.s32.f32 v5;
	v3 =	vadd.f32 $2.000000000e+00, v3  }
0x18d: {  	v19 =	vld.idx.msk [tilespmem:v9+s13+$0x0], $0xffff;
	v11 =	vmul.f32 v11, v10;
	v18 =	vmul.f32 v18, v15  }
0x18e: {  	v5 =	vmul.f32 $6.931471820e-01, v5;
	v1 =	vmul.f32 v3, v1  }
0x18f: {  	v24 =	vshra.s32 v4, $0x17;
	v11 =	vsub.f32 $0.0e+00, v11;
	v18 =	vadd.f32 $4.000000060e-01, v18  }
0x190: {  	v16 =	vmul.f32 v16, v10;
	v3 =	vmul.f32 v13, v10;
	v13 =	vadd.f32 v1, v5  }
0x191: {  	v1 =	vmul.f32 v17, v10;
	v5 =	vadd.s32 $0x5E, v7;
	v17 =	vmul.f32 v18, v15  }
0x192: {  	v19 =	vmul.f32 v19, v10;
	v11 =	vmul.f32 $1.442695020e+00, v11;
	v20 =	vadd.s32 $0xBC, v7  }
0x193: {  	v22 =	vadd.s32 $0x178, v7;
	v18 =	vsub.f32 v13, v3;
	v17 =	vadd.f32 $6.666666860e-01, v17  }
0x194: {  	(erf) = vpow2.f32 v11;
	v21 =	vadd.s32 $0x11A, v7;
	v16 =	vsub.f32 v13, v16  }
0x195: {  	v25 =	vsel vm0, $0xFFFFFF82, v0;
	v23 =	vld.idx.msk [tilespmem:v7+s13+$0x0], $0xffff;
	v18 =	vmul.f32 $1.442695020e+00, v18;
	v15 =	vmul.f32 v17, v15  }
0x196: {  	v3 =	vadd.f32 v13, v13;
	v11 =	vmul.f32 $1.442695020e+00, v16;
	v17 =	vadd.s32 v24, v25;
	v16 =	vld.idx.msk [tilespmem:v5+s13+$0x0], $0xffff  }
0x197: {  	v17 =	vcvt.s32.f32 v17;
	(erf) = vpow2.f32 v18;
	v18 =	vld.idx.msk [tilespmem:v20+s13+$0x0], $0xffff;
	v15 =	vadd.f32 $2.000000000e+00, v15  }
0x198: {  	v19 =	vsub.f32 v3, v19;
	v25 =	vld.idx.msk [tilespmem:v22+s13+$0x0], $0xffff;
	(erf) = vpow2.f32 v11  }
0x199: {  	v24 =	vld.idx.msk [tilespmem:v21+s13+$0x0], $0xffff;
	v1 =	vsub.f32 v3, v1;
	v11 =	vmul.f32 $6.931471820e-01, v17;
	v2 =	vmul.f32 v15, v2  }
0x19a: {  	v17 =	vmul.f32 v23, v4;
	v15 =	vmul.f32 $1.442695020e+00, v19  }
0x19b: {  	v19 =	vmul.f32 $1.442695020e+00, v1;
	v11 =	vadd.f32 v2, v11;
	v1 =	vmul.f32 v16, v4  }
0x19c: {  	(erf) = vpow2.f32 v15;
	v2 =	vsub.f32 $0.0e+00, v17;
	v15 =	vmul.f32 v18, v4  }
0x19d: {  	v23 =	vmul.f32 v25, v4;
	v17 =	vadd.f32 v11, v11;
	v16 =	vsub.f32 v11, v1  }
0x19e: {  	s11 =	simm.s32 $0xCA0;
	v18 =	vmul.f32 v24, v4;
	v2 =	vmul.f32 $1.442695020e+00, v2;
	v15 =	vsub.f32 v11, v15  }
0x19f: {  	(erf) = vpow2.f32 v19;
	v1 =	vld [tilespmem:s11+$0x0];
	v16 =	vmul.f32 $1.442695020e+00, v16;
	v19 =	vsub.f32 v17, v23  }
0x1a0: {  	v18 =	vsub.f32 v17, v18;
	(erf) = vpow2.f32 v2;
	v15 =	vmul.f32 $1.442695020e+00, v15  }
0x1a1: {  	(erf) = vpow2.f32 v16;
	v16 =	vmul.f32 $1.442695020e+00, v19  }
0x1a2: {  	v2 =	vmul.f32 $1.442695020e+00, v18  }
0x1a3: {  	(erf) = vpow2.f32 v15  }
0x1a4: {  	v9 =	vld.idx.msk [tilespmem:v9+s15+$0x0], $0xffff;
	(erf) = vpow2.f32 v2;
	v2 =	vand.u32 $0x7FFFFF, v1;
	v15 =	vpop (erf)  }
0x1a5: {  	v18 =	vld.idx.msk [tilespmem:v7+s15+$0x0], $0xffff;
	(erf) = vpow2.f32 v16;
	v2 =	vor.u32 $0x3F800000, v2;
	v16 =	vpop (erf)  }
0x1a6: {  	v5 =	vld.idx.msk [tilespmem:v5+s15+$0x0], $0xffff;
	v19 =	vmul.f32 $5.000000000e-01, v2;
	v23 =	vpop (erf)  }
0x1a7: {  	v6 =	vld.idx.msk [tilespmem:v6+s15+$0x0], $0xffff;
	vm14 =	vgt.f32 v2, $1.414213540e+00;
	v24 =	vpop (erf)  }
0x1a8: {  	v20 =	vld.idx.msk [tilespmem:v20+s15+$0x0], $0xffff;
	v19 =	vsel vm14, v19, v2;
	v25 =	vpop (erf)  }
0x1a9: {  	v2 =	vld.idx.msk [tilespmem:v21+s15+$0x0], $0xffff;
	v21 =	vadd.f32 $1.000000000e+00, v19;
	v26 =	vpop (erf)  }
0x1aa: {  	v8 =	vld.idx.msk [tilespmem:v8+s15+$0x0], $0xffff;
	s1 =	sand.u32 $0x7C00, s8;
	v18 =	vmul.f32 v18, v26;
	v26 =	vpop (erf)  }
0x1ab: {  	s14 =	sadd.s32 $0x10600, s1;
	v22 =	vld.idx.msk [tilespmem:v22+s15+$0x0], $0xffff;
	v9 =	vmul.f32 v24, v9;
	v5 =	vmul.f32 v26, v5  }
0x1ac: {  	v14 =	vld.idx.msk [tilespmem:v14+s15+$0x0], $0xffff;
	s2 =	sor.u32 s12, s14  }
0x1ad: {  	s19 =	sor.u32 s16, s14;
	(erf) = vrcp.f32 v21;
	v26 =	vld.idx.msk [tilespmem:v12+s15+$0x0], $0xffff;
	[tilespmem:s2+$0x180] =	vst v9;
	v21 =	vpop (erf)  }
0x1ae: {  	[tilespmem:s19+$0x0] =	vst v18;
	v18 =	vmul.f32 v21, v20;
	v20 =	vadd.s32 $0x1D6, v7;
	v21 =	vpop (erf)  }
0x1af: {  	[tilespmem:s19+$0x80] =	vst v5;
	v2 =	vmul.f32 v21, v2;
	v21 =	vadd.s32 $0x234, v7;
	v5 =	vpop (erf)  }
0x1b0: {  	v24 =	vadd.s32 $0x34E, v7;
	[tilespmem:s19+$0x100] =	vst v18;
	v5 =	vmul.f32 v5, v22  }
0x1b1: {  	s9 =	simm.s32 $0x25A0;
	v14 =	vmul.f32 v25, v14;
	v18 =	vadd.s32 $0x292, v7;
	[tilespmem:s19+$0x180] =	vst v2  }
0x1b2: {  	v22 =	vadd.s32 $0x2F0, v7;
	v2 =	vld [tilespmem:s9+$0x0];
	[tilespmem:s19+$0x200] =	vst v5  }
0x1b3: {  	v25 =	vadd.s32 $0x1D6, v12;
	[tilespmem:s2+$0x200] =	vst v14;
	v14 =	vadd.f32 $-1.000000000e+00, v19;
	v19 =	vmul.f32 v26, v15;
	v9 =	vld.idx.msk [tilespmem:v20+s13+$0x0], $0xffff  }
0x1b4: {  	v5 =	vmul.f32 v16, v6;
	v6 =	vmul.f32 v23, v8;
	v8 =	vld.idx.msk [tilespmem:v21+s13+$0x0], $0xffff  }
0x1b5: {  	[tilespmem:s2+$0x0] =	vst v19;
	v19 =	vld.idx.msk [tilespmem:v24+s13+$0x0], $0xffff  }
0x1b6: {  	[tilespmem:s2+$0x80] =	vst v5;
	v23 =	vld.idx.msk [tilespmem:v18+s13+$0x0], $0xffff  }
0x1b7: {  	[tilespmem:s2+$0x100] =	vst v6;
	v28 =	vld.idx.msk [tilespmem:v22+s13+$0x0], $0xffff  }
0x1b8: {  	v27 =	vadd.s32 $0x292, v12;
	v61 =	vmul.f32 $2.700000050e+00, v13;
	v13 =	vmul.f32 $3.000000000e+00, v13;
	v30 =	vld.idx.msk [tilespmem:v25+s13+$0x0], $0xffff  }
0x1b9: {  	v59 =	vmul.f32 $2.700000050e+00, v11;
	v26 =	vadd.s32 $0x234, v12;
	v15 =	vadd.s32 $0x2F0, v12;
	v5 =	vpop (erf)  }
0x1ba: {  	v6 =	vadd.s32 $0x5E, v2;
	v16 =	vmul.f32 v5, v14;
	v9 =	vmul.f32 v9, v4  }
0x1bb: {  	v14 =	vadd.s32 $0x34E, v12;
	v8 =	vmul.f32 v8, v4;
	v19 =	vmul.f32 v19, v4  }
0x1bc: {  	v31 =	vmul.f32 v16, v16;
	v9 =	vsub.f32 v17, v9;
	v17 =	vmul.f32 v23, v4  }
0x1bd: {  	v62 =	vld.idx.msk [tilespmem:v27+s13+$0x0], $0xffff;
	v8 =	vsub.f32 v59, v8;
	v28 =	vmul.f32 v28, v4;
	v30 =	vmul.f32 v30, v10  }
0x1be: {  	s10 =	simm.s32 $0x20;
	v63 =	vld.idx.msk [tilespmem:v15+s13+$0x0], $0xffff;
	v19 =	vsub.f32 v59, v19;
	v60 =	vmul.f32 $2.222222240e-01, v31;
	v17 =	vsub.f32 v59, v17  }
0x1bf: {  	s3 =	sand.u32 $0x60, s10;
	v23 =	vld.idx.msk [tilespmem:v26+s13+$0x0], $0xffff;
	v9 =	vmul.f32 $1.442695020e+00, v9;
	v28 =	vsub.f32 v59, v28;
	v37 =	vmul.f32 $1.442695020e+00, v8  }
0x1c0: {  	s20 =	sand.u32 $0xF80, s10;
	s7 =	sor.u32 $0x10, s3;
	v38 =	vld.idx.msk [tilespmem:v14+s13+$0x0], $0xffff;
	v30 =	vsub.f32 v3, v30;
	v19 =	vmul.f32 $1.442695020e+00, v19;
	v17 =	vmul.f32 $1.442695020e+00, v17  }
0x1c1: {  	s4 =	sor.u32 s20, s7;
	(erf) = vpow2.f32 v9;
	v28 =	vmul.f32 $1.442695020e+00, v28  }
0x1c2: {  	v29 =	vshra.s32 v1, $0x17;
	v3 =	vld [tilespmem:s4+$0xC80];
	v30 =	vmul.f32 $1.442695020e+00, v30;
	(erf) = vpow2.f32 v37  }
0x1c3: {  	v5 =	vadd.s32 $0xBC, v2;
	v37 =	vmul.f32 v63, v10;
	(erf) = vpow2.f32 v17  }
0x1c4: {  	v8 =	vadd.s32 $0x11A, v2;
	v17 =	vmul.f32 v23, v10;
	(erf) = vpow2.f32 v28  }
0x1c5: {  	v43 =	vld.idx.msk [tilespmem:v6+s13+$0x0], $0xffff;
	v23 =	vsel vm14, $0xFFFFFF82, v0;
	v28 =	vmul.f32 v62, v10;
	v38 =	vmul.f32 v38, v10  }
0x1c6: {  	v32 =	vsub.f32 v61, v37;
	(erf) = vpow2.f32 v19;
	v17 =	vsub.f32 v61, v17  }
0x1c7: {  	v20 =	vld.idx.msk [tilespmem:v20+s15+$0x0], $0xffff;
	v23 =	vadd.s32 v29, v23;
	v29 =	vand.u32 $0x7FFFFF, v3;
	v19 =	vadd.f32 $2.857142980e-01, v60  }
0x1c8: {  	v21 =	vld.idx.msk [tilespmem:v21+s15+$0x0], $0xffff;
	v29 =	vor.u32 $0x3F800000, v29;
	v23 =	vcvt.s32.f32 v23;
	v17 =	vmul.f32 $1.442695020e+00, v17  }
0x1c9: {  	v18 =	vld.idx.msk [tilespmem:v18+s15+$0x0], $0xffff;
	v28 =	vsub.f32 v61, v28;
	(erf) = vpow2.f32 v30;
	v30 =	vmul.f32 $1.442695020e+00, v32  }
0x1ca: {  	s21 =	sand.u32 $0x3, s8;
	v22 =	vld.idx.msk [tilespmem:v22+s15+$0x0], $0xffff;
	v9 =	vadd.s32 $0x178, v2;
	v40 =	vmul.f32 $5.000000000e-01, v29;
	v32 =	vmul.f32 v43, v1  }
0x1cb: {  	s11 =	sshll.u32 s21, $0x5;
	v24 =	vld.idx.msk [tilespmem:v24+s15+$0x0], $0xffff;
	v33 =	vsub.f32 v61, v38;
	v19 =	vmul.f32 v19, v31;
	v28 =	vmul.f32 $1.442695020e+00, v28;
	v39 =	vpop (erf)  }
0x1cc: {  	s11 =	sadd.s32 $0x0, s11;
	v25 =	vld.idx.msk [tilespmem:v25+s15+$0x0], $0xffff;
	vm15 =	vgt.f32 v29, $1.414213540e+00;
	(erf) = vpow2.f32 v17;
	v17 =	vpop (erf);
	v20 =	vmul.f32 v39, v20  }
0x1cd: {  	s14 =	sadd.s32 $0x10, s11;
	v27 =	vld.idx.msk [tilespmem:v27+s15+$0x0], $0xffff;
	v29 =	vsel vm15, v40, v29;
	v19 =	vadd.f32 $4.000000060e-01, v19;
	v41 =	vpop (erf);
	v17 =	vmul.f32 v17, v21  }
0x1ce: {  	s30 =	smov.u32 s22;
	s22 =	sor.u32 $0x300, s14;
	v42 =	vld.idx.msk [tilespmem:v2+s13+$0x0], $0xffff;
	v44 =	vadd.f32 $1.000000000e+00, v29;
	v18 =	vmul.f32 v41, v18;
	v21 =	vpop (erf);
	[tilespmem:s19+$0x280] =	vst v20;
	v20 =	vadd.s32 $0x3AC, v7  }
0x1cf: {  	s6 =	sadd.s32 $0x16A00, s1;
	s23 =	sor.u32 $0x380, s14;
	v45 =	vld.idx.msk [tilespmem:v9+s13+$0x0], $0xffff;
	v19 =	vmul.f32 v19, v31;
	v21 =	vmul.f32 v22, v21;
	v22 =	vpop (erf);
	[tilespmem:s22+$0x10600] =	vst v17;
	v17 =	vadd.s32 $0x40A, v7  }
0x1d0: {  	s26 =	sor.u32 s16, s6;
	s14 =	sadd.s32 $0x16A80, s1;
	v26 =	vld.idx.msk [tilespmem:v26+s15+$0x0], $0xffff;
	(erf) = vpow2.f32 v28;
	v22 =	vmul.f32 v24, v22;
	[tilespmem:s23+$0x10600] =	vst v18;
	v18 =	vadd.s32 $0x468, v7  }
0x1d1: {  	s20 =	sor.u32 s16, s14;
	v28 =	vld.idx.msk [tilespmem:v8+s13+$0x0], $0xffff;
	v19 =	vadd.f32 $6.666666860e-01, v19;
	(erf) = vrcp.f32 v44;
	[tilespmem:s26+$0x0] =	vst v21;
	v21 =	vadd.s32 $0x4C6, v7  }
0x1d2: {  	v23 =	vmul.f32 $6.931471820e-01, v23;
	v33 =	vmul.f32 $1.442695020e+00, v33;
	v24 =	vld.idx.msk [tilespmem:v5+s13+$0x0], $0xffff;
	[tilespmem:s20+$0x0] =	vst v22;
	v22 =	vadd.s32 $0x524, v7  }
0x1d3: {  	(erf) = vpow2.f32 v30;
	v19 =	vmul.f32 v19, v31;
	v30 =	vld.idx.msk [tilespmem:v20+s13+$0x0], $0xffff  }
0x1d4: {  	v34 =	vmul.f32 v45, v1;
	v46 =	vpop (erf);
	v7 =	vmul.f32 v42, v1;
	v47 =	vld.idx.msk [tilespmem:v17+s13+$0x0], $0xffff  }
0x1d5: {  	v25 =	vmul.f32 v46, v25;
	(erf) = vpow2.f32 v33;
	v19 =	vadd.f32 $2.000000000e+00, v19;
	v48 =	vpop (erf);
	v49 =	vld.idx.msk [tilespmem:v18+s13+$0x0], $0xffff  }
0x1d6: {  	v28 =	vmul.f32 v28, v1;
	v7 =	vsub.f32 $0.0e+00, v7;
	v26 =	vmul.f32 v48, v26;
	v31 =	vld.idx.msk [tilespmem:v21+s13+$0x0], $0xffff  }
0x1d7: {  	v16 =	vmul.f32 v19, v16;
	v24 =	vmul.f32 v24, v1;
	v50 =	vld.idx.msk [tilespmem:v22+s13+$0x0], $0xffff  }
0x1d8: {  	v51 =	vmul.f32 $1.442695020e+00, v7;
	v7 =	vmul.f32 $3.000000000e+00, v11  }
0x1d9: {  	v19 =	vadd.f32 $-1.000000000e+00, v29;
	v11 =	vmul.f32 v30, v4;
	v30 =	vpop (erf);
	v29 =	vmul.f32 v47, v4  }
0x1da: {  	v52 =	vadd.s32 $0x3AC, v12;
	v53 =	vpop (erf);
	v27 =	vmul.f32 v30, v27;
	v30 =	vmul.f32 v49, v4  }
0x1db: {  	v11 =	vsub.f32 v7, v11;
	v19 =	vmul.f32 v53, v19;
	v31 =	vmul.f32 v31, v4  }
0x1dc: {  	v29 =	vsub.f32 v7, v29;
	v30 =	vsub.f32 v7, v30;
	v4 =	vmul.f32 v50, v4  }
0x1dd: {  	v15 =	vld.idx.msk [tilespmem:v15+s15+$0x0], $0xffff;
	v11 =	vmul.f32 $1.442695020e+00, v11;
	v33 =	vmul.f32 v19, v19;
	v31 =	vsub.f32 v7, v31  }
0x1de: {  	v54 =	vadd.s32 $0x40A, v12;
	v29 =	vmul.f32 $1.442695020e+00, v29;
	v30 =	vmul.f32 $1.442695020e+00, v30  }
0x1df: {  	v14 =	vld.idx.msk [tilespmem:v14+s15+$0x0], $0xffff;
	v7 =	vsub.f32 v7, v4;
	(erf) = vpow2.f32 v11;
	v11 =	vmul.f32 $1.442695020e+00, v31  }
0x1e0: {  	s21 =	sor.u32 $0x300, s11;
	[tilespmem:s2+$0x280] =	vst v25;
	v4 =	vadd.f32 v16, v23;
	(erf) = vpow2.f32 v29;
	v29 =	vmul.f32 $2.222222240e-01, v33  }
0x1e1: {  	[tilespmem:s21+$0x10600] =	vst v26;
	v26 =	vadd.s32 $0x4C6, v12;
	v23 =	vpop (erf);
	v16 =	vmul.f32 $1.442695020e+00, v7;
	(erf) = vpow2.f32 v30  }
0x1e2: {  	v15 =	vmul.f32 v15, v23;
	v7 =	vld [tilespmem:s4+$0x2580];
	v31 =	vsub.f32 v4, v32;
	(erf) = vpow2.f32 v11  }
0x1e3: {  	v23 =	vadd.f32 $2.857142980e-01, v29;
	v11 =	vpop (erf);
	(erf) = vpow2.f32 v16;
	v16 =	vld.idx.msk [tilespmem:v20+s15+$0x0], $0xffff;
	v20 =	vsub.f32 v4, v24  }
0x1e4: {  	s22 =	sor.u32 $0x380, s11;
	v17 =	vld.idx.msk [tilespmem:v17+s15+$0x0], $0xffff;
	v24 =	vmul.f32 $1.442695020e+00, v31;
	v14 =	vmul.f32 v14, v11;
	v11 =	vadd.f32 v4, v4  }
0x1e5: {  	s23 =	sor.u32 s12, s6;
	v25 =	vld.idx.msk [tilespmem:v18+s15+$0x0], $0xffff;
	[tilespmem:s22+$0x10600] =	vst v27;
	v30 =	vadd.s32 $0x468, v12;
	v18 =	vmul.f32 $1.442695020e+00, v20;
	v20 =	vmul.f32 v23, v33  }
0x1e6: {  	s26 =	sor.u32 s12, s14;
	v12 =	vadd.s32 $0x524, v12;
	[tilespmem:s23+$0x0] =	vst v15;
	v15 =	vld.idx.msk [tilespmem:v21+s15+$0x0], $0xffff;
	(erf) = vpow2.f32 v51;
	v21 =	vsub.f32 v11, v28  }
0x1e7: {  	(erf) = vpow2.f32 v24;
	[tilespmem:s26+$0x0] =	vst v14;
	v14 =	vld.idx.msk [tilespmem:v22+s15+$0x0], $0xffff;
	v22 =	vsub.f32 v11, v34;
	v20 =	vadd.f32 $4.000000060e-01, v20  }
0x1e8: {  	v23 =	vpop (erf);
	(erf) = vpow2.f32 v18;
	v24 =	vld.idx.msk [tilespmem:v52+s13+$0x0], $0xffff;
	v18 =	vadd.s32 $0x5E, v7;
	v27 =	vmul.f32 $1.442695020e+00, v21  }
0x1e9: {  	v28 =	vpop (erf);
	v16 =	vmul.f32 v16, v23;
	v21 =	vadd.s32 $0xBC, v7;
	v20 =	vmul.f32 v20, v33  }
0x1ea: {  	v29 =	vld.idx.msk [tilespmem:v54+s13+$0x0], $0xffff;
	v23 =	vpop (erf);
	v17 =	vmul.f32 v17, v28;
	v28 =	vmul.f32 $1.442695020e+00, v22;
	v22 =	vadd.s32 $0x11A, v7  }
0x1eb: {  	s4 =	sadd.s32 $0x16B00, s1;
	v55 =	vld.idx.msk [tilespmem:v30+s13+$0x0], $0xffff;
	v31 =	vpop (erf);
	v23 =	vmul.f32 v25, v23;
	v25 =	vadd.s32 $0x178, v7;
	(erf) = vpow2.f32 v27  }
0x1ec: {  	s22 =	sor.u32 s16, s4;
	v56 =	vld.idx.msk [tilespmem:v26+s13+$0x0], $0xffff;
	v27 =	vshra.s32 v3, $0x17;
	v20 =	vadd.f32 $6.666666860e-01, v20;
	v57 =	vmul.f32 v15, v31  }
0x1ed: {  	s11 =	sadd.s32 $0x16B80, s1;
	v58 =	vld.idx.msk [tilespmem:v12+s13+$0x0], $0xffff;
	[tilespmem:s22+$0x0] =	vst v16;
	v31 =	vsel vm15, $0xFFFFFF82, v0;
	(erf) = vpow2.f32 v28;
	v15 =	vpop (erf);
	v24 =	vmul.f32 v24, v10  }
0x1ee: {  	s23 =	sor.u32 s16, s11;
	v27 =	vadd.s32 v27, v31;
	v14 =	vmul.f32 v14, v15;
	v15 =	vld.idx.msk [tilespmem:v7+s13+$0x0], $0xffff;
	v20 =	vmul.f32 v20, v33  }
0x1ef: {  	s26 =	sadd.s32 $0x16C00, s1;
	[tilespmem:s23+$0x0] =	vst v17;
	v16 =	vld.idx.msk [tilespmem:v18+s13+$0x0], $0xffff;
	v17 =	vcvt.s32.f32 v27;
	v27 =	vmul.f32 v29, v10  }
0x1f0: {  	s21 =	sor.u32 s16, s26;
	v59 =	vld.idx.msk [tilespmem:v21+s13+$0x0], $0xffff;
	v31 =	vsub.f32 v13, v24;
	v24 =	vmul.f32 v55, v10;
	v20 =	vadd.f32 $2.000000000e+00, v20  }
0x1f1: {  	s22 =	sadd.s32 $0x16C80, s1;
	[tilespmem:s21+$0x0] =	vst v23;
	v29 =	vmul.f32 v56, v10;
	v39 =	vld.idx.msk [tilespmem:v22+s13+$0x0], $0xffff;
	v23 =	vmul.f32 $6.931471820e-01, v17;
	v28 =	vsub.f32 v13, v27  }
0x1f2: {  	s1 =	sadd.s32 $0x16D00, s1;
	s23 =	sor.u32 s16, s22;
	v40 =	vld.idx.msk [tilespmem:v25+s13+$0x0], $0xffff;
	v27 =	vsub.f32 v13, v24;
	v24 =	vmul.f32 v58, v10;
	v20 =	vmul.f32 v20, v19  }
0x1f3: {  	[tilespmem:s23+$0x0] =	vst v57;
	s23 =	sor.u32 s12, s26;
	s26 =	sor.u32 s16, s1;
	v17 =	vld.idx.msk [tilespmem:v52+s15+$0x0], $0xffff;
	v29 =	vsub.f32 v13, v29;
	v60 =	vmul.f32 v15, v3  }
0x1f4: {  	[tilespmem:s26+$0x0] =	vst v14;
	v14 =	vld.idx.msk [tilespmem:v12+s15+$0x0], $0xffff;
	v19 =	vpop (erf);
	v61 =	vmul.f32 v16, v3;
	v10 =	vadd.f32 v20, v23  }
0x1f5: {  	s28 =	simm.s32 $0xCC0;
	v16 =	vld.idx.msk [tilespmem:v30+s15+$0x0], $0xffff;
	v63 =	vmul.f32 v59, v3;
	v30 =	vsub.f32 v13, v24;
	v23 =	vpop (erf);
	v62 =	vsub.f32 $0.0e+00, v60  }
0x1f6: {  	s19 =	sor.u32 s12, s11;
	s14 =	simm.s32 $0x2;
	s20 =	sor.u32 s12, s4;
	v15 =	vld.idx.msk [tilespmem:v54+s15+$0x0], $0xffff;
	v33 =	vmul.f32 v39, v3;
	v24 =	vpop (erf);
	v20 =	vadd.f32 v10, v10;
	v32 =	vsub.f32 v10, v61  }
0x1f7: {  	s29 =	sor.u32 s12, s22;
	s16 =	sor.u32 s12, s1;
	s12 =	simm.s32 $0x0;
	v13 =	vld.idx.msk [tilespmem:v26+s15+$0x0], $0xffff;
	v36 =	vmul.f32 v40, v3;
	v26 =	vpop (erf);
	v34 =	vsub.f32 v10, v63;
	v35 =	vmul.f32 $1.442695020e+00, v62  }
.LBB2_5:
0x1f8: {  	v12 =	vld [tilespmem:s28+$0x0];
	v33 =	vsub.f32 v20, v33;
	v32 =	vmul.f32 $1.442695020e+00, v32;
	v37 =	vpop (erf);
	v31 =	vmul.f32 $1.442695020e+00, v31  }
0x1f9: {  	v36 =	vsub.f32 v20, v36;
	v34 =	vmul.f32 $1.442695020e+00, v34;
	(erf) = vpow2.f32 v35  }
0x1fa: {  	v33 =	vmul.f32 $1.442695020e+00, v33;
	(erf) = vpow2.f32 v32  }
0x1fb: {  	v32 =	vmul.f32 $1.442695020e+00, v36;
	(erf) = vpow2.f32 v34  }
0x1fc: {  	v28 =	vmul.f32 $1.442695020e+00, v28;
	(erf) = vpow2.f32 v33  }
0x1fd: {  	v27 =	vmul.f32 $1.442695020e+00, v27;
	v33 =	vand.u32 $0x7FFFFF, v12;
	v34 =	vld.idx.msk [tilespmem:v7+s15+$0x0], $0xffff;
	(erf) = vpow2.f32 v32  }
0x1fe: {  	v29 =	vmul.f32 $1.442695020e+00, v29;
	v30 =	vmul.f32 $1.442695020e+00, v30;
	v32 =	vor.u32 $0x3F800000, v33;
	v18 =	vld.idx.msk [tilespmem:v18+s15+$0x0], $0xffff  }
0x1ff: {  	v33 =	vmul.f32 $5.000000000e-01, v32;
	v21 =	vld.idx.msk [tilespmem:v21+s15+$0x0], $0xffff;
	(erf) = vpow2.f32 v31  }
0x200: {  	vm0 =	vgt.f32 v32, $1.414213540e+00;
	v22 =	vld.idx.msk [tilespmem:v22+s15+$0x0], $0xffff;
	(erf) = vpow2.f32 v28  }
0x201: {  	s8 =	sadd.s32 $0x100, s8;
	v28 =	vsel vm0, v33, v32;
	v25 =	vld.idx.msk [tilespmem:v25+s15+$0x0], $0xffff;
	(erf) = vpow2.f32 v27  }
0x202: {  	s1 =	sand.u32 $0x7C00, s8;
	v32 =	vadd.f32 $1.000000000e+00, v28;
	v8 =	vld.idx.msk [tilespmem:v8+s15+$0x0], $0xffff;
	v31 =	vpop (erf);
	(erf) = vpow2.f32 v29  }
0x203: {  	s2 =	sadd.s32 $0x10600, s1;
	v9 =	vld.idx.msk [tilespmem:v9+s15+$0x0], $0xffff;
	v33 =	vmul.f32 v34, v31;
	v31 =	vpop (erf);
	(erf) = vpow2.f32 v30  }
0x204: {  	s6 =	sor.u32 s3, s2;
	s11 =	sor.u32 s7, s2;
	(erf) = vrcp.f32 v32;
	v6 =	vld.idx.msk [tilespmem:v6+s15+$0x0], $0xffff;
	v18 =	vmul.f32 v31, v18;
	v27 =	vpop (erf)  }
0x205: {  	v5 =	vld.idx.msk [tilespmem:v5+s15+$0x0], $0xffff;
	[tilespmem:s11+$0x0] =	vst v33;
	v21 =	vmul.f32 v27, v21;
	v27 =	vadd.s32 $0x1D6, v7;
	v29 =	vpop (erf)  }
0x206: {  	v30 =	vld.idx.msk [tilespmem:v2+s15+$0x0], $0xffff;
	[tilespmem:s11+$0x80] =	vst v18;
	v18 =	vmul.f32 v29, v22;
	v22 =	vadd.s32 $0x234, v7;
	v29 =	vpop (erf)  }
0x207: {  	[tilespmem:s11+$0x100] =	vst v21;
	v21 =	vmul.f32 v29, v25;
	v25 =	vadd.s32 $0x292, v7  }
0x208: {  	s9 =	sadd.s32 $0x20, s9;
	v8 =	vmul.f32 v26, v8;
	v26 =	vadd.s32 $0x1D6, v2;
	v29 =	vadd.s32 $0x2F0, v7;
	[tilespmem:s11+$0x180] =	vst v18;
	v31 =	vpop (erf)  }
0x209: {  	v9 =	vmul.f32 v37, v9;
	v18 =	vld [tilespmem:s9+$0x0];
	[tilespmem:s11+$0x200] =	vst v21;
	v21 =	vadd.s32 $0x34E, v7;
	v17 =	vmul.f32 v17, v31;
	v31 =	vpop (erf)  }
0x20a: {  	v33 =	vmul.f32 v23, v6;
	v23 =	vadd.s32 $0x234, v2;
	[tilespmem:s6+$0x180] =	vst v8;
	v8 =	vld.idx.msk [tilespmem:v27+s13+$0x0], $0xffff;
	v31 =	vmul.f32 v15, v31;
	v15 =	vpop (erf)  }
0x20b: {  	v5 =	vmul.f32 v24, v5;
	[tilespmem:s6+$0x200] =	vst v9;
	v9 =	vadd.s32 $0x292, v2;
	v24 =	vld.idx.msk [tilespmem:v22+s13+$0x0], $0xffff;
	v16 =	vmul.f32 v16, v15;
	v15 =	vpop (erf)  }
0x20c: {  	v28 =	vadd.f32 $-1.000000000e+00, v28;
	v19 =	vmul.f32 v30, v19;
	[tilespmem:s6+$0x80] =	vst v33;
	v30 =	vld.idx.msk [tilespmem:v25+s13+$0x0], $0xffff;
	v32 =	vmul.f32 v13, v15;
	v6 =	vpop (erf)  }
0x20d: {  	v33 =	vadd.s32 $0x2F0, v2;
	v13 =	vpop (erf);
	[tilespmem:s6+$0x100] =	vst v5;
	v34 =	vld.idx.msk [tilespmem:v29+s13+$0x0], $0xffff;
	v14 =	vmul.f32 v14, v6  }
0x20e: {  	v13 =	vmul.f32 v13, v28;
	[tilespmem:s6+$0x0] =	vst v19;
	v19 =	vadd.s32 $0x34E, v2;
	v28 =	vld.idx.msk [tilespmem:v21+s13+$0x0], $0xffff  }
0x20f: {  	v35 =	vshra.s32 v12, $0x17;
	v6 =	vadd.s32 $0x5E, v18;
	v36 =	vld.idx.msk [tilespmem:v26+s13+$0x0], $0xffff;
	[tilespmem:s20+$0x0] =	vst v17  }
0x210: {  	v5 =	vadd.s32 $0xBC, v18;
	v17 =	vmul.f32 v8, v3;
	v15 =	vmul.f32 v13, v13;
	v37 =	vld.idx.msk [tilespmem:v23+s13+$0x0], $0xffff;
	[tilespmem:s19+$0x0] =	vst v31  }
0x211: {  	v38 =	vmul.f32 $2.700000050e+00, v10;
	v8 =	vadd.s32 $0x11A, v18;
	v24 =	vmul.f32 v24, v3;
	v31 =	vld.idx.msk [tilespmem:v9+s13+$0x0], $0xffff;
	[tilespmem:s23+$0x0] =	vst v16  }
0x212: {  	v16 =	vsub.f32 v20, v17;
	v17 =	vmul.f32 v30, v3;
	v39 =	vmul.f32 $2.222222240e-01, v15;
	v40 =	vld.idx.msk [tilespmem:v33+s13+$0x0], $0xffff;
	[tilespmem:s29+$0x0] =	vst v32  }
0x213: {  	v30 =	vmul.f32 $2.700000050e+00, v4;
	v24 =	vsub.f32 v38, v24;
	v34 =	vmul.f32 v34, v3;
	v32 =	vld.idx.msk [tilespmem:v19+s13+$0x0], $0xffff;
	[tilespmem:s16+$0x0] =	vst v14  }
0x214: {  	v14 =	vsub.f32 v38, v17;
	v20 =	vld.idx.msk [tilespmem:v26+s15+$0x0], $0xffff;
	v26 =	vmul.f32 v28, v3;
	v28 =	vmul.f32 $1.442695020e+00, v16  }
0x215: {  	s10 =	sadd.s32 $0x20, s10;
	v36 =	vmul.f32 v36, v1;
	v24 =	vmul.f32 $1.442695020e+00, v24;
	v16 =	vld.idx.msk [tilespmem:v23+s15+$0x0], $0xffff;
	v23 =	vsub.f32 v38, v34  }
0x216: {  	s4 =	sand.u32 $0x60, s10;
	v34 =	vmul.f32 $1.442695020e+00, v14;
	v17 =	vld.idx.msk [tilespmem:v9+s15+$0x0], $0xffff;
	v26 =	vsub.f32 v38, v26;
	(erf) = vpow2.f32 v28  }
0x217: {  	s2 =	sor.u32 $0x10, s4;
	s16 =	sand.u32 $0xF80, s10;
	v28 =	vsub.f32 v11, v36;
	v11 =	vld.idx.msk [tilespmem:v33+s15+$0x0], $0xffff;
	v23 =	vmul.f32 $1.442695020e+00, v23;
	(erf) = vpow2.f32 v24  }
0x218: {  	s16 =	sor.u32 s16, s2;
	v9 =	vadd.s32 $0x178, v18;
	v14 =	vld.idx.msk [tilespmem:v19+s15+$0x0], $0xffff;
	v24 =	vmul.f32 $1.442695020e+00, v26;
	(erf) = vpow2.f32 v34  }
0x219: {  	v33 =	vmul.f32 v37, v1;
	v26 =	vsel vm0, $0xFFFFFF82, v0;
	v19 =	vld [tilespmem:s16+$0xC80];
	(erf) = vpow2.f32 v23  }
0x21a: {  	v31 =	vmul.f32 v31, v1;
	v23 =	vadd.f32 $2.857142980e-01, v39;
	v27 =	vld.idx.msk [tilespmem:v27+s15+$0x0], $0xffff;
	(erf) = vpow2.f32 v24  }
0x21b: {  	v32 =	vmul.f32 v32, v1;
	v24 =	vsub.f32 v30, v33;
	v33 =	vmul.f32 v40, v1;
	v22 =	vld.idx.msk [tilespmem:v22+s15+$0x0], $0xffff  }
0x21c: {  	v31 =	vsub.f32 v30, v31;
	v28 =	vmul.f32 $1.442695020e+00, v28;
	v23 =	vmul.f32 v23, v15;
	v25 =	vld.idx.msk [tilespmem:v25+s15+$0x0], $0xffff  }
0x21d: {  	s12 =	sadd.s32 $0x1, s12;
	v34 =	vsub.f32 v30, v33;
	v30 =	vsub.f32 v30, v32;
	v36 =	vmul.f32 $1.442695020e+00, v24;
	v29 =	vld.idx.msk [tilespmem:v29+s15+$0x0], $0xffff  }
0x21e: {  	s19 =	sand.u32 $0x3, s12;
	v26 =	vadd.s32 v35, v26;
	v31 =	vmul.f32 $1.442695020e+00, v31;
	v21 =	vld.idx.msk [tilespmem:v21+s15+$0x0], $0xffff;
	(erf) = vpow2.f32 v28  }
0x21f: {  	s19 =	sshll.u32 s19, $0x5;
	v28 =	vand.u32 $0x7FFFFF, v19;
	v32 =	vmul.f32 $1.442695020e+00, v34;
	v30 =	vmul.f32 $1.442695020e+00, v30;
	v33 =	vpop (erf)  }
0x220: {  	s19 =	sadd.s32 s19, s8;
	v28 =	vor.u32 $0x3F800000, v28;
	v35 =	vmul.f32 v33, v27;
	(erf) = vpow2.f32 v36;
	v24 =	vpop (erf)  }
0x221: {  	s23 =	sor.u32 $0x300, s19;
	s20 =	sor.u32 $0x380, s19;
	s19 =	sadd.s32 $0x10, s19;
	v23 =	vadd.f32 $4.000000060e-01, v23;
	v34 =	vmul.f32 $5.000000000e-01, v28;
	v33 =	vld.idx.msk [tilespmem:v18+s13+$0x0], $0xffff;
	v22 =	vmul.f32 v24, v22;
	v24 =	vpop (erf)  }
0x222: {  	s14 =	sadd.s32 $0x2, s14;
	vm0 =	vgt.f32 v28, $1.414213540e+00;
	[tilespmem:s11+$0x280] =	vst v35;
	s11 =	sor.u32 $0x300, s19;
	v24 =	vmul.f32 v24, v25;
	v25 =	vadd.s32 $0x3AC, v7;
	v27 =	vpop (erf)  }
0x223: {  	p0 =	slt.u32 s14, $0xC6;
	s21 =	sadd.s32 $0x16A00, s1;
	v28 =	vsel vm0, v34, v28;
	s19 =	sor.u32 $0x380, s19;
	v35 =	vld.idx.msk [tilespmem:v6+s13+$0x0], $0xffff;
	[tilespmem:s11+$0x10600] =	vst v22;
	v22 =	vmul.f32 v29, v27;
	v27 =	vadd.s32 $0x40A, v7;
	v29 =	vpop (erf)  }
0x224: {  	s26 =	sadd.s32 $0x16A80, s1;
	v37 =	vadd.f32 $1.000000000e+00, v28;
	s11 =	sor.u32 s3, s21;
	s21 =	sor.u32 s7, s21;
	v34 =	vld.idx.msk [tilespmem:v5+s13+$0x0], $0xffff;
	[tilespmem:s19+$0x10600] =	vst v24;
	v21 =	vmul.f32 v21, v29;
	v24 =	vadd.s32 $0x468, v7  }
0x225: {  	v26 =	vcvt.s32.f32 v26;
	s19 =	sor.u32 s3, s26;
	v29 =	vld.idx.msk [tilespmem:v8+s13+$0x0], $0xffff;
	[tilespmem:s21+$0x0] =	vst v22;
	s21 =	sor.u32 s7, s26;
	v22 =	vadd.s32 $0x4C6, v7;
	(erf) = vpow2.f32 v31  }
0x226: {  	v23 =	vmul.f32 v23, v15;
	v31 =	vld.idx.msk [tilespmem:v9+s13+$0x0], $0xffff;
	(erf) = vrcp.f32 v37;
	[tilespmem:s21+$0x0] =	vst v21;
	v21 =	vadd.s32 $0x524, v7  }
0x227: {  	v7 =	vmul.f32 v33, v12;
	v33 =	vld.idx.msk [tilespmem:v25+s13+$0x0], $0xffff;
	v36 =	vpop (erf);
	(erf) = vpow2.f32 v32  }
0x228: {  	v23 =	vadd.f32 $6.666666860e-01, v23;
	v20 =	vmul.f32 v36, v20;
	v32 =	vld.idx.msk [tilespmem:v27+s13+$0x0], $0xffff;
	(erf) = vpow2.f32 v30  }
0x229: {  	v26 =	vmul.f32 $6.931471820e-01, v26;
	v30 =	vmul.f32 v35, v12;
	v35 =	vld.idx.msk [tilespmem:v24+s13+$0x0], $0xffff;
	v36 =	vpop (erf)  }
0x22a: {  	v23 =	vmul.f32 v23, v15;
	v7 =	vsub.f32 $0.0e+00, v7;
	[tilespmem:s6+$0x280] =	vst v20;
	v16 =	vmul.f32 v36, v16;
	v20 =	vld.idx.msk [tilespmem:v22+s13+$0x0], $0xffff  }
0x22b: {  	v15 =	vadd.s32 $0x3AC, v2;
	v34 =	vmul.f32 v34, v12;
	v29 =	vmul.f32 v29, v12;
	v36 =	vld.idx.msk [tilespmem:v21+s13+$0x0], $0xffff  }
0x22c: {  	v23 =	vadd.f32 $2.000000000e+00, v23;
	v37 =	vmul.f32 $1.442695020e+00, v7;
	v31 =	vmul.f32 v31, v12;
	[tilespmem:s23+$0x10600] =	vst v16  }
0x22d: {  	v7 =	vmul.f32 $3.000000000e+00, v10;
	v16 =	vadd.s32 $0x40A, v2;
	v10 =	vmul.f32 v33, v3  }
0x22e: {  	v23 =	vmul.f32 v23, v13;
	v13 =	vadd.f32 $-1.000000000e+00, v28;
	v38 =	vmul.f32 v32, v3;
	v32 =	vpop (erf)  }
0x22f: {  	v39 =	vmul.f32 v35, v3;
	v33 =	vpop (erf);
	v17 =	vmul.f32 v32, v17;
	v32 =	vsub.f32 v7, v10  }
0x230: {  	v20 =	vmul.f32 v20, v3;
	v10 =	vmul.f32 v33, v13;
	v13 =	vsub.f32 v7, v38;
	v28 =	vpop (erf)  }
0x231: {  	v33 =	vmul.f32 v36, v3;
	[tilespmem:s20+$0x10600] =	vst v17;
	v17 =	vsub.f32 v7, v39;
	v32 =	vmul.f32 $1.442695020e+00, v32;
	v35 =	vpop (erf)  }
0x232: {  	v3 =	vmovc v19;
	v20 =	vsub.f32 v7, v20;
	v36 =	vmul.f32 v10, v10;
	v38 =	vmul.f32 $1.442695020e+00, v13  }
0x233: {  	v7 =	vsub.f32 v7, v33;
	v17 =	vmul.f32 $1.442695020e+00, v17;
	(erf) = vpow2.f32 v32  }
0x234: {  	v13 =	vadd.s32 $0x468, v2;
	v19 =	vmul.f32 $1.442695020e+00, v20;
	(erf) = vpow2.f32 v38  }
0x235: {  	v23 =	vadd.f32 v23, v26;
	v26 =	vmul.f32 $1.442695020e+00, v7;
	(erf) = vpow2.f32 v17  }
0x236: {  	v20 =	vadd.s32 $0x4C6, v2;
	v17 =	vmul.f32 $2.222222240e-01, v36;
	v7 =	vld [tilespmem:s16+$0x2580];
	(erf) = vpow2.f32 v19  }
0x237: {  	v28 =	vmul.f32 v11, v28;
	v19 =	vsub.f32 v23, v30;
	v25 =	vld.idx.msk [tilespmem:v25+s15+$0x0], $0xffff;
	(erf) = vpow2.f32 v26  }
0x238: {  	v14 =	vmul.f32 v14, v35;
	v26 =	vsub.f32 v23, v34;
	v17 =	vadd.f32 $2.857142980e-01, v17;
	v27 =	vld.idx.msk [tilespmem:v27+s15+$0x0], $0xffff  }
0x239: {  	v11 =	vadd.f32 v23, v23;
	v19 =	vmul.f32 $1.442695020e+00, v19;
	(erf) = vpow2.f32 v37;
	[tilespmem:s11+$0x0] =	vst v28;
	v24 =	vld.idx.msk [tilespmem:v24+s15+$0x0], $0xffff  }
0x23a: {  	v26 =	vmul.f32 $1.442695020e+00, v26;
	v17 =	vmul.f32 v17, v36;
	[tilespmem:s19+$0x0] =	vst v14;
	v14 =	vadd.s32 $0x524, v2;
	v28 =	vld.idx.msk [tilespmem:v22+s15+$0x0], $0xffff;
	v2 =	vmovc v18  }
0x23b: {  	v30 =	vmul.f32 $3.000000000e+00, v4;
	v4 =	vmovc v23;
	v18 =	vsub.f32 v11, v29;
	(erf) = vpow2.f32 v19;
	v19 =	vld.idx.msk [tilespmem:v21+s15+$0x0], $0xffff  }
0x23c: {  	v22 =	vsub.f32 v11, v31;
	v17 =	vadd.f32 $4.000000060e-01, v17;
	(erf) = vpow2.f32 v26;
	v23 =	vld.idx.msk [tilespmem:v15+s13+$0x0], $0xffff;
	v21 =	vpop (erf)  }
0x23d: {  	s6 =	sadd.s32 $0x16B00, s1;
	v26 =	vmul.f32 $1.442695020e+00, v18;
	v18 =	vadd.s32 $0x5E, v7;
	v29 =	vld.idx.msk [tilespmem:v16+s13+$0x0], $0xffff;
	v25 =	vmul.f32 v25, v21;
	v31 =	vpop (erf)  }
0x23e: {  	s20 =	sor.u32 s3, s6;
	s6 =	sor.u32 s7, s6;
	s11 =	sadd.s32 $0x16B80, s1;
	v17 =	vmul.f32 v17, v36;
	v21 =	vadd.s32 $0xBC, v7;
	v32 =	vld.idx.msk [tilespmem:v13+s13+$0x0], $0xffff;
	v27 =	vmul.f32 v27, v31;
	v31 =	vpop (erf)  }
0x23f: {  	s16 =	sadd.s32 $0x16C00, s1;
	s19 =	sor.u32 s3, s11;
	v33 =	vmul.f32 $1.442695020e+00, v22;
	v22 =	vadd.s32 $0x11A, v7;
	v34 =	vld.idx.msk [tilespmem:v20+s13+$0x0], $0xffff;
	[tilespmem:s6+$0x0] =	vst v25;
	s6 =	sor.u32 s7, s11;
	v24 =	vmul.f32 v24, v31;
	v31 =	vpop (erf)  }
0x240: {  	s23 =	sor.u32 s3, s16;
	v17 =	vadd.f32 $6.666666860e-01, v17;
	v25 =	vadd.s32 $0x178, v7;
	s11 =	sadd.s32 $0x16C80, s1;
	v35 =	vld.idx.msk [tilespmem:v14+s13+$0x0], $0xffff;
	[tilespmem:s6+$0x0] =	vst v27;
	s6 =	sor.u32 s7, s16;
	v27 =	vmul.f32 v28, v31;
	v28 =	vpop (erf)  }
0x241: {  	s1 =	sadd.s32 $0x16D00, s1;
	s29 =	sor.u32 s3, s11;
	v37 =	vld.idx.msk [tilespmem:v7+s13+$0x0], $0xffff;
	(erf) = vpow2.f32 v26;
	[tilespmem:s6+$0x0] =	vst v24;
	s6 =	sor.u32 s7, s11;
	v24 =	vmul.f32 v19, v28  }
0x242: {  	s16 =	sor.u32 s3, s1;
	s1 =	sor.u32 s7, s1;
	s3 =	smov.u32 s4;
	v26 =	vshra.s32 v3, $0x17;
	v28 =	vsel vm0, $0xFFFFFF82, v0;
	v17 =	vmul.f32 v17, v36;
	v36 =	vld.idx.msk [tilespmem:v18+s13+$0x0], $0xffff;
	v19 =	vpop (erf);
	[tilespmem:s6+$0x0] =	vst v27  }
0x243: {  	s7 =	smov.u32 s2;
	v26 =	vadd.s32 v26, v28;
	v27 =	vmul.f32 v23, v1;
	v38 =	vld.idx.msk [tilespmem:v21+s13+$0x0], $0xffff;
	(erf) = vpow2.f32 v33;
	[tilespmem:s1+$0x0] =	vst v24  }
0x244: {  	v28 =	vmul.f32 v29, v1;
	v26 =	vcvt.s32.f32 v26;
	v17 =	vadd.f32 $2.000000000e+00, v17;
	v33 =	vld.idx.msk [tilespmem:v22+s13+$0x0], $0xffff;
	v23 =	vpop (erf)  }
0x245: {  	v31 =	vsub.f32 v30, v27;
	v27 =	vmul.f32 v32, v1;
	v29 =	vmul.f32 v34, v1;
	v39 =	vld.idx.msk [tilespmem:v25+s13+$0x0], $0xffff;
	v24 =	vpop (erf)  }
0x246: {  	v28 =	vsub.f32 v30, v28;
	v26 =	vmul.f32 $6.931471820e-01, v26;
	v10 =	vmul.f32 v17, v10;
	v17 =	vld.idx.msk [tilespmem:v15+s15+$0x0], $0xffff  }
.Ltmp1:
0x247: {  	v32 =	vmul.f32 v37, v3;
	v27 =	vsub.f32 v30, v27;
	v37 =	vmul.f32 v35, v1;
	v15 =	vld.idx.msk [tilespmem:v16+s15+$0x0], $0xffff;
	(pc) =	sbr.rel @p0 .LBB2_5-.Ltmp1, $4  }
0x248: {  	v29 =	vsub.f32 v30, v29;
	v10 =	vadd.f32 v10, v26;
	v36 =	vmul.f32 v36, v3;
	v16 =	vld.idx.msk [tilespmem:v13+s15+$0x0], $0xffff  }
0x249: {  	v1 =	vmovc v12;
	v35 =	vsub.f32 $0.0e+00, v32;
	v34 =	vmul.f32 v38, v3;
	v30 =	vsub.f32 v30, v37;
	v13 =	vld.idx.msk [tilespmem:v20+s15+$0x0], $0xffff  }
0x24a: {  	v20 =	vadd.f32 v10, v10;
	v32 =	vsub.f32 v10, v36;
	v33 =	vmul.f32 v33, v3;
	v26 =	vpop (erf);
	v14 =	vld.idx.msk [tilespmem:v14+s15+$0x0], $0xffff  }
0x24b: {  	s28 =	sadd.s32 $0x20, s28;
	v34 =	vsub.f32 v10, v34;
	v36 =	vmul.f32 v39, v3;
	v35 =	vmul.f32 $1.442695020e+00, v35  }
0x24c: {  	_ =	sdelay $0x2  }
0x24d: {  	v12 =	vsub.f32 v20, v33;
	v32 =	vmul.f32 $1.442695020e+00, v32  }
0x24e: {  	v8 =	vld.idx.msk [tilespmem:v8+s15+$0x0], $0xffff;
	v52 =	vsub.f32 v20, v36;
	v34 =	vmul.f32 $1.442695020e+00, v34;
	(erf) = vpow2.f32 v35  }
0x24f: {  	v9 =	vld.idx.msk [tilespmem:v9+s15+$0x0], $0xffff;
	v12 =	vmul.f32 $1.442695020e+00, v12;
	(erf) = vpow2.f32 v32  }
0x250: {  	v6 =	vld.idx.msk [tilespmem:v6+s15+$0x0], $0xffff;
	v53 =	vmul.f32 $1.442695020e+00, v52;
	(erf) = vpow2.f32 v34  }
0x251: {  	s4 =	sadd.s32 $0x100, s8;
	v5 =	vld.idx.msk [tilespmem:v5+s15+$0x0], $0xffff;
	(erf) = vpow2.f32 v12  }
0x252: {  	v63 =	vld.idx.msk [tilespmem:v2+s15+$0x0], $0xffff;
	s1 =	sand.u32 $0x7C00, s4;
	(erf) = vpow2.f32 v53  }
0x253: {  	v54 =	vld.idx.msk [tilespmem:v7+s15+$0x0], $0xffff;
	v55 =	vpop (erf);
	s2 =	sadd.s32 $0x10600, s1;
	v8 =	vmul.f32 v26, v8  }
0x254: {  	v18 =	vld.idx.msk [tilespmem:v18+s15+$0x0], $0xffff;
	s6 =	sor.u32 s7, s2;
	s2 =	sor.u32 s3, s2;
	v9 =	vmul.f32 v55, v9  }
0x255: {  	v21 =	vld.idx.msk [tilespmem:v21+s15+$0x0], $0xffff;
	v6 =	vmul.f32 v23, v6;
	[tilespmem:s2+$0x180] =	vst v8  }
0x256: {  	v22 =	vld.idx.msk [tilespmem:v22+s15+$0x0], $0xffff;
	v5 =	vmul.f32 v24, v5;
	[tilespmem:s2+$0x200] =	vst v9  }
0x257: {  	v25 =	vld.idx.msk [tilespmem:v25+s15+$0x0], $0xffff;
	v19 =	vmul.f32 v63, v19;
	[tilespmem:s2+$0x80] =	vst v6;
	v56 =	vpop (erf)  }
0x258: {  	[tilespmem:s2+$0x100] =	vst v5;
	v12 =	vmul.f32 v54, v56;
	v57 =	vpop (erf)  }
0x259: {  	v39 =	vadd.s32 $0x1D6, v2;
	[tilespmem:s2+$0x0] =	vst v19;
	v18 =	vmul.f32 v57, v18;
	v58 =	vpop (erf)  }
0x25a: {  	[tilespmem:s6+$0x0] =	vst v12;
	v59 =	vmul.f32 v58, v21;
	v21 =	vadd.s32 $0x1D6, v7;
	v60 =	vpop (erf)  }
0x25b: {  	[tilespmem:s6+$0x80] =	vst v18;
	v61 =	vmul.f32 v60, v22;
	v22 =	vadd.s32 $0x234, v7;
	v62 =	vpop (erf)  }
0x25c: {  	[tilespmem:s6+$0x100] =	vst v59;
	v35 =	vmul.f32 v62, v25;
	v25 =	vadd.s32 $0x292, v7  }
0x25d: {  	v18 =	vadd.s32 $0x2F0, v7;
	[tilespmem:s6+$0x180] =	vst v61  }
0x25e: {  	v48 =	vld.idx.msk [tilespmem:v39+s13+$0x0], $0xffff;
	[tilespmem:s6+$0x200] =	vst v35  }
0x25f: {  	v37 =	vadd.s32 $0x34E, v7;
	v40 =	vld.idx.msk [tilespmem:v21+s13+$0x0], $0xffff  }
0x260: {  	v31 =	vmul.f32 $1.442695020e+00, v31;
	v28 =	vmul.f32 $1.442695020e+00, v28;
	v41 =	vld.idx.msk [tilespmem:v22+s13+$0x0], $0xffff  }
0x261: {  	v38 =	vmul.f32 $1.442695020e+00, v29;
	v43 =	vmul.f32 $1.442695020e+00, v30;
	v42 =	vld.idx.msk [tilespmem:v25+s13+$0x0], $0xffff  }
0x262: {  	v45 =	vadd.s32 $0x234, v2;
	v50 =	vmul.f32 $2.700000050e+00, v10;
	v36 =	vmul.f32 $1.442695020e+00, v27;
	v44 =	vld.idx.msk [tilespmem:v18+s13+$0x0], $0xffff  }
0x263: {  	v47 =	vadd.s32 $0x292, v2;
	v52 =	vmul.f32 $2.700000050e+00, v4;
	(erf) = vpow2.f32 v31  }
0x264: {  	v49 =	vadd.s32 $0x2F0, v2;
	(erf) = vpow2.f32 v28;
	v46 =	vld.idx.msk [tilespmem:v37+s13+$0x0], $0xffff;
	v8 =	vmul.f32 v40, v3  }
0x265: {  	v51 =	vadd.s32 $0x34E, v2;
	(erf) = vpow2.f32 v36;
	v9 =	vmul.f32 v41, v3  }
0x266: {  	(erf) = vpow2.f32 v38;
	v6 =	vmul.f32 v42, v3;
	v8 =	vsub.f32 v20, v8  }
0x267: {  	v53 =	vld.idx.msk [tilespmem:v45+s13+$0x0], $0xffff;
	v26 =	vmul.f32 v48, v1;
	v5 =	vmul.f32 v44, v3;
	v9 =	vsub.f32 v50, v9  }
0x268: {  	(erf) = vpow2.f32 v43;
	v6 =	vsub.f32 v50, v6;
	v8 =	vmul.f32 $1.442695020e+00, v8  }
0x269: {  	v54 =	vld.idx.msk [tilespmem:v47+s13+$0x0], $0xffff;
	v19 =	vmul.f32 v46, v3;
	v5 =	vsub.f32 v50, v5;
	v9 =	vmul.f32 $1.442695020e+00, v9  }
0x26a: {  	v55 =	vld.idx.msk [tilespmem:v49+s13+$0x0], $0xffff;
	v6 =	vmul.f32 $1.442695020e+00, v6;
	(erf) = vpow2.f32 v8  }
0x26b: {  	v56 =	vld.idx.msk [tilespmem:v51+s13+$0x0], $0xffff;
	v19 =	vsub.f32 v50, v19;
	v5 =	vmul.f32 $1.442695020e+00, v5;
	(erf) = vpow2.f32 v9  }
0x26c: {  	v58 =	vmul.f32 v53, v1;
	(erf) = vpow2.f32 v6  }
0x26d: {  	v57 =	vmul.f32 $1.442695020e+00, v19;
	(erf) = vpow2.f32 v5  }
0x26e: {  	v11 =	vsub.f32 v11, v26;
	v59 =	vmul.f32 v54, v1;
	v60 =	vpop (erf);
	v6 =	vsub.f32 v52, v58  }
0x26f: {  	v61 =	vmul.f32 v55, v1;
	v19 =	vpop (erf);
	(erf) = vpow2.f32 v57  }
0x270: {  	v62 =	vmul.f32 v56, v1;
	v11 =	vmul.f32 $1.442695020e+00, v11;
	v21 =	vld.idx.msk [tilespmem:v21+s15+$0x0], $0xffff;
	v63 =	vsub.f32 v52, v59;
	v31 =	vpop (erf)  }
0x271: {  	v22 =	vld.idx.msk [tilespmem:v22+s15+$0x0], $0xffff;
	v8 =	vsub.f32 v52, v61;
	v5 =	vpop (erf);
	v33 =	vmul.f32 $1.442695020e+00, v6  }
0x272: {  	s10 =	sadd.s32 $0x1, s12;
	v25 =	vld.idx.msk [tilespmem:v25+s15+$0x0], $0xffff;
	v28 =	vmul.f32 $1.442695020e+00, v63;
	v20 =	vsub.f32 v52, v62;
	(erf) = vpow2.f32 v11;
	v6 =	vpop (erf)  }
0x273: {  	s8 =	sand.u32 $0x3, s10;
	v18 =	vld.idx.msk [tilespmem:v18+s15+$0x0], $0xffff;
	v8 =	vmul.f32 $1.442695020e+00, v8;
	v36 =	vpop (erf);
	(erf) = vpow2.f32 v33  }
0x274: {  	s8 =	sshll.u32 s8, $0x5;
	v34 =	vld.idx.msk [tilespmem:v37+s15+$0x0], $0xffff;
	v35 =	vmul.f32 $1.442695020e+00, v20;
	v37 =	vpop (erf);
	(erf) = vpow2.f32 v28  }
0x275: {  	s4 =	sadd.s32 s8, s4;
	v20 =	vmul.f32 v36, v21;
	v38 =	vpop (erf);
	(erf) = vpow2.f32 v8  }
0x276: {  	s8 =	sadd.s32 $0x10, s4;
	v21 =	vmul.f32 v37, v22;
	v41 =	vpop (erf);
	(erf) = vpow2.f32 v35  }
0x277: {  	s11 =	sor.u32 $0x300, s8;
	v39 =	vld.idx.msk [tilespmem:v39+s15+$0x0], $0xffff;
	v22 =	vadd.s32 $0x3AC, v7;
	[tilespmem:s6+$0x280] =	vst v20;
	v40 =	vmul.f32 v38, v25  }
0x278: {  	s9 =	sadd.s32 $0x16A00, s1;
	s12 =	sor.u32 $0x380, s8;
	v42 =	vld.idx.msk [tilespmem:v45+s15+$0x0], $0xffff;
	v20 =	vadd.s32 $0x468, v7;
	[tilespmem:s11+$0x10600] =	vst v21;
	v18 =	vmul.f32 v18, v41;
	v43 =	vpop (erf)  }
0x279: {  	s14 =	sadd.s32 $0x16A80, s1;
	s21 =	sor.u32 s7, s9;
	v23 =	vld.idx.msk [tilespmem:v47+s15+$0x0], $0xffff;
	v21 =	vadd.s32 $0x40A, v7;
	[tilespmem:s12+$0x10600] =	vst v40;
	v11 =	vmul.f32 v34, v43  }
0x27a: {  	s22 =	sor.u32 s7, s14;
	v44 =	vld.idx.msk [tilespmem:v49+s15+$0x0], $0xffff;
	[tilespmem:s21+$0x0] =	vst v18;
	v18 =	vadd.s32 $0x4C6, v7  }
0x27b: {  	v45 =	vld.idx.msk [tilespmem:v51+s15+$0x0], $0xffff;
	v47 =	vpop (erf);
	[tilespmem:s22+$0x0] =	vst v11  }
0x27c: {  	v7 =	vadd.s32 $0x524, v7;
	v8 =	vmul.f32 v47, v39;
	v46 =	vld.idx.msk [tilespmem:v22+s13+$0x0], $0xffff;
	v49 =	vpop (erf)  }
0x27d: {  	v50 =	vld.idx.msk [tilespmem:v20+s13+$0x0], $0xffff;
	v12 =	vmul.f32 v49, v42;
	v51 =	vpop (erf)  }
0x27e: {  	v29 =	vadd.s32 $0x3AC, v2;
	s26 =	sor.u32 $0x300, s4;
	[tilespmem:s2+$0x280] =	vst v8;
	v48 =	vld.idx.msk [tilespmem:v21+s13+$0x0], $0xffff;
	v23 =	vmul.f32 v51, v23;
	v53 =	vpop (erf)  }
0x27f: {  	s4 =	sor.u32 $0x380, s4;
	v54 =	vadd.s32 $0x40A, v2;
	v52 =	vld.idx.msk [tilespmem:v18+s13+$0x0], $0xffff;
	[tilespmem:s26+$0x10600] =	vst v12;
	v56 =	vpop (erf);
	v24 =	vmul.f32 v44, v53  }
0x280: {  	s28 =	sor.u32 s3, s9;
	v58 =	vadd.s32 $0x468, v2;
	[tilespmem:s4+$0x10600] =	vst v23;
	v11 =	vmul.f32 v45, v56  }
0x281: {  	v55 =	vmul.f32 $3.000000000e+00, v10;
	v9 =	vmul.f32 v17, v60;
	v60 =	vadd.s32 $0x4C6, v2;
	s6 =	sor.u32 s3, s14;
	v57 =	vld.idx.msk [tilespmem:v7+s13+$0x0], $0xffff;
	[tilespmem:s28+$0x0] =	vst v24  }
0x282: {  	v63 =	vmul.f32 v15, v19;
	v2 =	vadd.s32 $0x524, v2;
	v25 =	vmul.f32 v46, v3;
	[tilespmem:s6+$0x0] =	vst v11  }
0x283: {  	v62 =	vmul.f32 v50, v3;
	v59 =	vmul.f32 v48, v3;
	v30 =	vld.idx.msk [tilespmem:v29+s13+$0x0], $0xffff  }
0x284: {  	v16 =	vmul.f32 v16, v31;
	v61 =	vsub.f32 v55, v25;
	v8 =	vmul.f32 v52, v3;
	v33 =	vld.idx.msk [tilespmem:v54+s13+$0x0], $0xffff  }
0x285: {  	v37 =	vmul.f32 $3.000000000e+00, v4;
	v32 =	vsub.f32 v55, v62;
	v28 =	vsub.f32 v55, v59;
	v34 =	vld.idx.msk [tilespmem:v58+s13+$0x0], $0xffff  }
0x286: {  	v3 =	vmul.f32 v57, v3;
	v35 =	vld.idx.msk [tilespmem:v60+s13+$0x0], $0xffff;
	v24 =	vmul.f32 $1.442695020e+00, v61;
	v8 =	vsub.f32 v55, v8  }
0x287: {  	v36 =	vld.idx.msk [tilespmem:v2+s13+$0x0], $0xffff;
	v19 =	vmul.f32 $1.442695020e+00, v32;
	v15 =	vmul.f32 $1.442695020e+00, v28  }
0x288: {  	v3 =	vsub.f32 v55, v3;
	(erf) = vpow2.f32 v24;
	v8 =	vmul.f32 $1.442695020e+00, v8  }
0x289: {  	(erf) = vpow2.f32 v15;
	v38 =	vmul.f32 v30, v1  }
0x28a: {  	v3 =	vmul.f32 $1.442695020e+00, v3;
	v39 =	vmul.f32 v33, v1  }
0x28b: {  	(erf) = vpow2.f32 v19;
	v40 =	vmul.f32 v34, v1;
	v15 =	vsub.f32 v37, v38  }
0x28c: {  	v41 =	vmul.f32 v35, v1;
	v1 =	vmul.f32 v36, v1;
	v17 =	vsub.f32 v37, v39  }
0x28d: {  	(erf) = vpow2.f32 v8;
	v19 =	vsub.f32 v37, v40;
	v42 =	vmul.f32 $1.442695020e+00, v15  }
0x28e: {  	(erf) = vpow2.f32 v3;
	v3 =	vsub.f32 v37, v41;
	v43 =	vmul.f32 $1.442695020e+00, v17  }
0x28f: {  	v1 =	vsub.f32 v37, v1;
	v45 =	vmul.f32 $1.442695020e+00, v19;
	(erf) = vpow2.f32 v42  }
0x290: {  	v44 =	vld.idx.msk [tilespmem:v22+s15+$0x0], $0xffff;
	v3 =	vmul.f32 $1.442695020e+00, v3;
	(erf) = vpow2.f32 v43  }
0x291: {  	v46 =	vld.idx.msk [tilespmem:v21+s15+$0x0], $0xffff;
	v1 =	vmul.f32 $1.442695020e+00, v1;
	(erf) = vpow2.f32 v45  }
0x292: {  	[tilespmem:s20+$0x0] =	vst v9;
	v47 =	vld.idx.msk [tilespmem:v20+s15+$0x0], $0xffff;
	(erf) = vpow2.f32 v3;
	v3 =	vmul.f32 v14, v6  }
0x293: {  	[tilespmem:s19+$0x0] =	vst v63;
	v49 =	vld.idx.msk [tilespmem:v18+s15+$0x0], $0xffff;
	v48 =	vmul.f32 v13, v5  }
0x294: {  	[tilespmem:s23+$0x0] =	vst v16;
	v50 =	vld.idx.msk [tilespmem:v7+s15+$0x0], $0xffff;
	v51 =	vpop (erf);
	(erf) = vpow2.f32 v1  }
0x295: {  	s8 =	sadd.s32 $0x16B00, s1;
	[tilespmem:s29+$0x0] =	vst v48;
	v53 =	vld.idx.msk [tilespmem:v29+s15+$0x0], $0xffff;
	v52 =	vmul.f32 v44, v51;
	v1 =	vpop (erf)  }
0x296: {  	s9 =	sadd.s32 $0x16B80, s1;
	s10 =	sor.u32 s7, s8;
	v54 =	vld.idx.msk [tilespmem:v54+s15+$0x0], $0xffff;
	[tilespmem:s16+$0x0] =	vst v3;
	v1 =	vmul.f32 v46, v1;
	v3 =	vpop (erf)  }
0x297: {  	s11 =	sadd.s32 $0x16C00, s1;
	s12 =	sor.u32 s7, s9;
	v56 =	vld.idx.msk [tilespmem:v58+s15+$0x0], $0xffff;
	[tilespmem:s10+$0x0] =	vst v52;
	v3 =	vmul.f32 v47, v3;
	v55 =	vpop (erf)  }
0x298: {  	s14 =	sadd.s32 $0x16C80, s1;
	v58 =	vld.idx.msk [tilespmem:v60+s15+$0x0], $0xffff;
	s16 =	sor.u32 s7, s11;
	[tilespmem:s12+$0x0] =	vst v1;
	v1 =	vmul.f32 v49, v55;
	v57 =	vpop (erf)  }
0x299: {  	s1 =	sadd.s32 $0x16D00, s1;
	s19 =	sor.u32 s7, s14;
	v2 =	vld.idx.msk [tilespmem:v2+s15+$0x0], $0xffff;
	[tilespmem:s16+$0x0] =	vst v3;
	v3 =	vmul.f32 v50, v57;
	v59 =	vpop (erf)  }
0x29a: {  	s20 =	sor.u32 s7, s1;
	[tilespmem:s19+$0x0] =	vst v1;
	v1 =	vmul.f32 v53, v59;
	v60 =	vpop (erf)  }
0x29b: {  	s31 =	sadd.s32 $0x1, s31;
	s2 =	sor.u32 s3, s8;
	[tilespmem:s20+$0x0] =	vst v3;
	v3 =	vmul.f32 v54, v60;
	v61 =	vpop (erf)  }
0x29c: {  	s0 =	smul.u32 $0xC80, s0;
	p0 =	sne.s32 s31, $0x10;
	s4 =	sor.u32 s3, s9;
	v4 =	vmul.f32 v56, v61;
	v62 =	vpop (erf);
	[tilespmem:s2+$0x0] =	vst v1  }
.Ltmp2:
0x29d: {  	s21 =	sor.u32 s3, s11;
	v1 =	vmul.f32 v58, v62;
	v63 =	vpop (erf);
	[tilespmem:s4+$0x0] =	vst v3;
	(pc) =	sbr.rel @p0 .LBB2_2-.Ltmp2, $4  }
0x29e: {  	s23 =	rddreg [dreg:$0x3];
	s22 =	sor.u32 s3, s14;
	v2 =	vmul.f32 v2, v63;
	[tilespmem:s21+$0x0] =	vst v4  }
0x29f: {  	s0 =	sadd.s32 s23, s0;
	s1 =	sor.u32 s3, s1;
	[tilespmem:s22+$0x0] =	vst v1  }
0x2a0: {  	s26 =	simm.s32 $0x6400;
	s28 =	simm.s32 $0x186A000;
	s29 =	simm.s32 $0x10600;
	[tilespmem:s1+$0x0] =	vst v2  }
0x2a1: {  	[hbm4b:s0+s26] =	stream.strided.scatter [tilespmem:s29], [sflag:$0x6], $0xC800, s28, s26, $0x38;
	[tilespmem:$0x1CE00] =	vst v63  }
0x2a2: {  	_ =	swait.ge [sflag:s17], $0xC80  }
0x2a3: {  	[sflag:s17] =	ssyncset.done $0x0  }
0x2a4: {  	[sflag:s17] =	ssyncadd.s32 $0xFFFFF380  }
0x2a5: {  	_ =	swait.ge [sflag:s18], $0xC80  }
0x2a6: {  	[sflag:s18] =	ssyncset.done $0x0  }
0x2a7: {  	s0 =	simm.s32 $0x5;
	[sflag:s18] =	ssyncadd.s32 $0xFFFFF380  }
0x2a8: {  	_ =	swait.ge [sflag:s0], $0xC800  }
0x2a9: {  	[sflag:s0] =	ssyncset.done $0x0  }
0x2aa: {  	s1 =	simm.s32 $0x6;
	[sflag:s0] =	ssyncadd.s32 $0xFFFF3800  }
0x2ab: {  	_ =	swait.ge [sflag:s1], $0xC800  }
0x2ac: {  	s2 =	rddreg [dreg:$0xc]  }
0x2ad: {  	s31 =	rddreg [dreg:$0xb];
	s2 =	sadd.s32 $0x1, s2  }
0x2ae: {  	p0 =	sne.s32 s2, s31  }
.Ltmp3:
0x2af: {  	_ = 	snop;
	(pc) =	sbr.rel @p0 .LBB2_1-.Ltmp3, $3  }
0x2b0: {  	_ =	sdelay $0x1  }
0x2b1: {  	[sflag:s1] =	ssyncset.done $0x0  }
0x2b2: {  	[sflag:s1] =	ssyncadd.s32 $0xFFFF3800  }
0x2b3: {  	_ =	sfence.sel $0x180000  }
0x2b4: {  	[bflag:$0x0] =	sbarrier.arrive $0xFFFF  }
0x2b5: {  	_ =	strace $0x90000047  }
0x2b6: {  	s0 =	stileid.u32;
	[bflag:$0x2] =	sbarrier.arrive $0xFFFF  }
0x2b7: {  	p0 =	sne.s32 s0, $0x0;
	s0 =	rddreg [dreg:$0x4]  }
0x2b8: {  	s0 =	sadd.s32 @!p0 $0x100000, s0  }
0x2b9: {  	[sflag:s0] =	ssyncadd.tile.s32 @!p0 $0x1;
	_ =	shalt  }
.Lfunc_end2:
_tile_overlayer_lowered:
.L_overlay_start_2:
0x2ba: {  	(tag) =	ssettag $0x2  }
0x2bb: {  	s0 =	rddreg [dreg:$0x0];
	s2 =	stileid.u32  }
0x2bc: {  	s1 =	rddreg [dreg:$0x1];
	p0 =	sne.s32 s2, $0x0  }
0x2bd: {  	s3 =	rddreg [dreg:$0x2];
	[bflag:$0x3] =	sbarrier.arrive $0xFFFF;
	s2 =	simm.s32 @!p0 $0x1C07  }
0x2be: {  	[timem:s3], [sflag:s2] =	dma.local @!p0 [hbm:s0], s1  }
0x2bf: {  	s0 =	simm.s32 @!p0 $0x7  }
0x2c0: {  	_ =	swait.ge @!p0 [sflag:s0], s1  }
0x2c1: {  	s1 =	ssub.s32 @!p0 $0x0, s1;
	[sflag:s0] =	ssyncset.done @!p0 $0x0  }
0x2c2: {  	[sflag:s0] =	ssyncadd.s32 @!p0 s1  }
0x2c3: {  	[bflag:$0x3] =	sbarrier.arrive $0xFFFF  }
0x2c4: {  	_ =	shalt  }

</sc_bundles>
